<compile_context>
chip_gen: v7x
topology: tpu7x:2x2x1
jax: 0.10.2.dev20260603
libtpu: 0.0.44.dev20260713+nightly
codegen_flags: <defaults>
</compile_context>

<pallas_src>
import jax
import jax.numpy as jnp
from jax import lax
from jax.experimental import pallas as pl
from jax.experimental.pallas import tpu as pltpu
import jax.experimental.pallas.tpu_sc as plsc

N = 10000
E = 320000
D_IN = 128
D_OUT = 128

NC = 2
NS = 16
NW = NC * NS
EW = E // NW
K = 80
NCHUNK = EW // K
NPAD = 10240
RPT = NPAD // NS
DEGW = 16

_MESH = plsc.VectorSubcoreMesh(
    core_axis_name="c", subcore_axis_name="s", num_cores=NC, num_subcores=NS
)


def _deg_body(rows_hbm, ones_hbm, zeros_hbm, out_hbm, rowv, onesv, acc):
    c = lax.axis_index("c")
    s = lax.axis_index("s")
    g = c * NS + s
    pltpu.sync_copy(rows_hbm.at[g], rowv)
    pltpu.sync_copy(ones_hbm, onesv)
    sl = pl.ds(s * RPT, RPT)
    pltpu.sync_copy(zeros_hbm.at[sl], acc.at[sl])
    plsc.subcore_barrier()

    def step(j, carry):
        pltpu.sync_copy(onesv, acc.at[rowv.at[j]], add=True)
        return carry

    lax.fori_loop(0, NCHUNK, step, 0)
    plsc.subcore_barrier()
    pltpu.sync_copy(acc.at[sl], out_hbm.at[c, sl])


def _edge_body(y_hbm, rows_hbm, cols_hbm, zeros_hbm, out_hbm,
               rowv, colv, bufa, bufb, acc, sema, semb):
    c = lax.axis_index("c")
    s = lax.axis_index("s")
    g = c * NS + s
    pltpu.sync_copy(rows_hbm.at[g], rowv)
    pltpu.sync_copy(cols_hbm.at[pl.ds(g * EW, EW)], colv)
    sl = pl.ds(s * RPT, RPT)
    pltpu.sync_copy(zeros_hbm.at[sl], acc.at[sl])
    plsc.subcore_barrier()

    def cidx(j):
        return colv.at[pl.ds(j * K, K)]

    pltpu.async_copy(y_hbm.at[cidx(0)], bufa, sema)

    def pair(i, carry):
        ja = 2 * i
        jb = 2 * i + 1
        pltpu.async_copy(y_hbm.at[cidx(jb)], bufb, semb)
        pltpu.make_async_copy(y_hbm.at[cidx(ja)], bufa, sema).wait()
        pltpu.sync_copy(bufa, acc.at[rowv.at[ja]], add=True)
        pltpu.async_copy(y_hbm.at[cidx(jb + 1)], bufa, sema)
        pltpu.make_async_copy(y_hbm.at[cidx(jb)], bufb, semb).wait()
        pltpu.sync_copy(bufb, acc.at[rowv.at[jb]], add=True)
        return carry

    lax.fori_loop(0, (NCHUNK - 1) // 2, pair, 0)
    last = NCHUNK - 1
    pltpu.make_async_copy(y_hbm.at[cidx(last)], bufa, sema).wait()
    pltpu.sync_copy(bufa, acc.at[rowv.at[last]], add=True)

    plsc.subcore_barrier()
    pltpu.sync_copy(acc.at[sl], out_hbm.at[c, sl])


def _pre_body(x_ref, w_ref, dp_ref, xw_ref, y_ref):
    xw = lax.dot_general(
        x_ref[...], w_ref[...], (((1,), (1,)), ((), ())),
        preferred_element_type=jnp.float32)
    deg = dp_ref[0, :, 0:1] + dp_ref[1, :, 0:1] + 1.0
    xw_ref[...] = xw
    y_ref[...] = xw * (1.0 / jnp.sqrt(deg))


def _post_body(ap_ref, dp_ref, xw_ref, o_ref):
    deg = dp_ref[0, :, 0:1] + dp_ref[1, :, 0:1] + 1.0
    dis = 1.0 / jnp.sqrt(deg)
    o_ref[...] = dis * (ap_ref[0] + ap_ref[1]) + xw_ref[...] / deg


_R = 400


@jax.jit
def kernel(x, edge_index, W):
    row = edge_index[0].astype(jnp.int32)
    col = edge_index[1].astype(jnp.int32)
    rows3 = row.reshape(NW, NCHUNK, K)
    ones16 = jnp.ones((K, DEGW), jnp.float32)
    zeros16 = jnp.zeros((NPAD, DEGW), jnp.float32)
    zerosd = jnp.zeros((NPAD, D_OUT), jnp.float32)

    deg_parts = pl.kernel(
        _deg_body,
        out_type=jax.ShapeDtypeStruct((NC, NPAD, DEGW), jnp.float32),
        mesh=_MESH,
        scratch_types=[
            pltpu.VMEM((NCHUNK, K), jnp.int32),
            pltpu.VMEM((K, DEGW), jnp.float32),
            pltpu.VMEM_SHARED((NPAD, DEGW), jnp.float32),
        ],
    )(rows3, ones16, zeros16)

    grid = N // _R
    xw, y = pl.pallas_call(
        _pre_body,
        grid=(grid,),
        in_specs=[
            pl.BlockSpec((_R, D_IN), lambda i: (i, 0)),
            pl.BlockSpec((D_OUT, D_IN), lambda i: (0, 0)),
            pl.BlockSpec((NC, _R, DEGW), lambda i: (0, i, 0)),
        ],
        out_specs=[
            pl.BlockSpec((_R, D_OUT), lambda i: (i, 0)),
            pl.BlockSpec((_R, D_OUT), lambda i: (i, 0)),
        ],
        out_shape=[jax.ShapeDtypeStruct((N, D_OUT), jnp.float32)] * 2,
    )(x, W, deg_parts)

    acc_parts = pl.kernel(
        _edge_body,
        out_type=jax.ShapeDtypeStruct((NC, NPAD, D_OUT), jnp.float32),
        mesh=_MESH,
        scratch_types=[
            pltpu.VMEM((NCHUNK, K), jnp.int32),
            pltpu.VMEM((EW,), jnp.int32),
            pltpu.VMEM((K, D_OUT), jnp.float32),
            pltpu.VMEM((K, D_OUT), jnp.float32),
            pltpu.VMEM_SHARED((NPAD, D_OUT), jnp.float32),
            pltpu.SemaphoreType.DMA,
            pltpu.SemaphoreType.DMA,
        ],
    )(y, rows3, col, zerosd)

    out = pl.pallas_call(
        _post_body,
        grid=(grid,),
        in_specs=[
            pl.BlockSpec((NC, _R, D_OUT), lambda i: (0, i, 0)),
            pl.BlockSpec((NC, _R, DEGW), lambda i: (0, i, 0)),
            pl.BlockSpec((_R, D_OUT), lambda i: (i, 0)),
        ],
        out_specs=pl.BlockSpec((_R, D_OUT), lambda i: (i, 0)),
        out_shape=jax.ShapeDtypeStruct((N, D_OUT), jnp.float32),
    )(acc_parts, deg_parts, xw)
    return out

# --- scband reference (transcript-rebuilt; emitter-appended) ---
"""Pipeline reference for scband-simple-gcnlayer-17721035063937 (READ-ONLY COPY).

The authoritative reference and input builder live on the scoring server;
editing this copy changes nothing except your own understanding.
"""

import jax, jax.numpy as jnp
import numpy as np

N = 10000
E = 320000
D_IN = 128
D_OUT = 128


def setup_inputs(seed: int = 0) -> dict:
    key = jax.random.key(seed)
    k1, k2, k3 = jax.random.split(key, 3)
    x = jax.random.normal(k1, (N, D_IN), dtype=jnp.float32)
    edge_index = jax.random.randint(k2, (2, E), 0, N)
    # nn.Linear(in, out, bias=False) weight has shape [out, in]
    W = jax.random.normal(k3, (D_OUT, D_IN), dtype=jnp.float32) * 0.05
    return {"x": x, "edge_index": edge_index, "W": W}


def reference(x, edge_index, W):
    n = x.shape[0]
    row, col = edge_index[0], edge_index[1]
    loop_idx = jnp.arange(n, dtype=edge_index.dtype)
    row2 = jnp.concatenate([row, loop_idx], axis=0)
    col2 = jnp.concatenate([col, loop_idx], axis=0)
    deg = jnp.bincount(row2, length=n).astype(jnp.float32)
    deg_inv_sqrt = jnp.power(deg, -0.5)
    deg_inv_sqrt = jnp.where(jnp.isinf(deg_inv_sqrt), 0.0, deg_inv_sqrt)
    xw = x @ W.T
    norm = deg_inv_sqrt[row2] * deg_inv_sqrt[col2]
    msgs = norm[:, None] * xw[col2]
    out = jnp.zeros_like(xw).at[row2].add(msgs)
    return out

if __name__ == "__main__":
    import jax
    _d = setup_inputs()
    print(jax.jit(kernel)(*tuple(_d.values())))

</pallas_src>

<mosaic_0001>
#map = affine_map<(d0, d1) -> (0, 0, 0)>
#map1 = affine_map<(d0, d1) -> (0, 0)>
module attributes {stable_mosaic.version = 14 : i64} {
  func.func @_deg_body(%arg0: i32, %arg1: i32, %arg2: memref<32x125x80xi32, #tpu.memory_space<hbm>>, %arg3: memref<80x16xf32, #tpu.memory_space<hbm>>, %arg4: memref<10240x16xf32, #tpu.memory_space<hbm>>, %arg5: memref<2x10240x16xf32, #tpu.memory_space<hbm>>, %arg6: memref<125x80xi32, #tpu.memory_space<vmem>>, %arg7: memref<80x16xf32, #tpu.memory_space<vmem>>, %arg8: memref<10240x16xf32, #tpu.memory_space<vmem_shared>>) attributes {dimension_semantics = [#tpu.dimension_semantics<core_parallel>, #tpu.dimension_semantics<subcore_parallel>], iteration_bounds = array<i64: 2, 16>, scalar_prefetch = 0 : i64, scratch_operands = 3 : i64, tpu.core_type = #tpu.core_type<sc_vector_subcore>, window_params = [{transform_indices = #map}, {transform_indices = #map1}, {transform_indices = #map1}, {transform_indices = #map}]} {
    %mul3A = arith.constant 16 : i32
    %mul3A_0 = arith.muli %arg0, %mul3A : i32
    %add3A = arith.addi %mul3A_0, %arg1 : i32
    "tpu.region"() ({
      %run_scoped3A = tpu.sem_alloc : memref<!tpu.dma_semaphore, #tpu.memory_space<semaphore_mem>>
      %dma_start3A = arith.constant 0 : i32
      %dma_start3A_9 = arith.constant 0 : i32
      %dma_start3A_10 = tpu.memref_slice %arg2[%add3A, %dma_start3A, %dma_start3A_9] : memref<32x125x80xi32, #tpu.memory_space<hbm>> -> memref<1x125x80xi32, #tpu.memory_space<hbm>>
      %dma_start3A_11 = tpu.memref_squeeze %dma_start3A_10 : memref<1x125x80xi32, #tpu.memory_space<hbm>> -> memref<125x80xi32, #tpu.memory_space<hbm>>
      %dma_start3A_12 = arith.constant 0 : i32
      %dma_start3A_13 = arith.constant 0 : i32
      %dma_start3A_14 = tpu.memref_slice %arg2[%add3A, %dma_start3A_12, %dma_start3A_13] : memref<32x125x80xi32, #tpu.memory_space<hbm>> -> memref<1x125x80xi32, #tpu.memory_space<hbm>>
      %dma_start3A_15 = tpu.memref_squeeze %dma_start3A_14 : memref<1x125x80xi32, #tpu.memory_space<hbm>> -> memref<125x80xi32, #tpu.memory_space<hbm>>
      tpu.enqueue_dma source(%dma_start3A_15 : memref<125x80xi32, #tpu.memory_space<hbm>>) target(%arg6 : memref<125x80xi32, #tpu.memory_space<vmem>>) target_semaphore(%run_scoped3A : memref<!tpu.dma_semaphore, #tpu.memory_space<semaphore_mem>>)
      %dma_wait3A = arith.constant 0 : i32
      %dma_wait3A_16 = arith.constant 0 : i32
      %dma_wait3A_17 = tpu.memref_slice %arg2[%add3A, %dma_wait3A, %dma_wait3A_16] : memref<32x125x80xi32, #tpu.memory_space<hbm>> -> memref<1x125x80xi32, #tpu.memory_space<hbm>>
      %dma_wait3A_18 = tpu.memref_squeeze %dma_wait3A_17 : memref<1x125x80xi32, #tpu.memory_space<hbm>> -> memref<125x80xi32, #tpu.memory_space<hbm>>
      %dma_wait3A_19 = arith.constant 0 : i32
      %dma_wait3A_20 = arith.constant 0 : i32
      %dma_wait3A_21 = tpu.memref_slice %arg2[%add3A, %dma_wait3A_19, %dma_wait3A_20] : memref<32x125x80xi32, #tpu.memory_space<hbm>> -> memref<1x125x80xi32, #tpu.memory_space<hbm>>
      %dma_wait3A_22 = tpu.memref_squeeze %dma_wait3A_21 : memref<1x125x80xi32, #tpu.memory_space<hbm>> -> memref<125x80xi32, #tpu.memory_space<hbm>>
      tpu.wait_dma2 semaphore(%run_scoped3A : memref<!tpu.dma_semaphore, #tpu.memory_space<semaphore_mem>>) src(%dma_wait3A_22 : memref<125x80xi32, #tpu.memory_space<hbm>>) dst(%arg6 : memref<125x80xi32, #tpu.memory_space<vmem>>)
      tpu.yield
    }) : () -> ()
    "tpu.region"() ({
      %run_scoped3A = tpu.sem_alloc : memref<!tpu.dma_semaphore, #tpu.memory_space<semaphore_mem>>
      tpu.enqueue_dma source(%arg3 : memref<80x16xf32, #tpu.memory_space<hbm>>) target(%arg7 : memref<80x16xf32, #tpu.memory_space<vmem>>) target_semaphore(%run_scoped3A : memref<!tpu.dma_semaphore, #tpu.memory_space<semaphore_mem>>)
      tpu.wait_dma2 semaphore(%run_scoped3A : memref<!tpu.dma_semaphore, #tpu.memory_space<semaphore_mem>>) src(%arg3 : memref<80x16xf32, #tpu.memory_space<hbm>>) dst(%arg7 : memref<80x16xf32, #tpu.memory_space<vmem>>)
      tpu.yield
    }) : () -> ()
    %mul3A_1 = arith.constant 640 : i32
    %mul3A_2 = arith.muli %arg1, %mul3A_1 : i32
    "tpu.region"() ({
      %run_scoped3A = tpu.sem_alloc : memref<!tpu.dma_semaphore, #tpu.memory_space<semaphore_mem>>
      %dma_start3A = arith.constant 0 : i32
      %dma_start3A_9 = tpu.memref_slice %arg8[%mul3A_2, %dma_start3A] : memref<10240x16xf32, #tpu.memory_space<vmem_shared>> -> memref<640x16xf32, #tpu.memory_space<vmem_shared>>
      %dma_start3A_10 = arith.constant 0 : i32
      %dma_start3A_11 = tpu.memref_slice %arg4[%mul3A_2, %dma_start3A_10] : memref<10240x16xf32, #tpu.memory_space<hbm>> -> memref<640x16xf32, #tpu.memory_space<hbm>>
      tpu.enqueue_dma source(%dma_start3A_11 : memref<640x16xf32, #tpu.memory_space<hbm>>) target(%dma_start3A_9 : memref<640x16xf32, #tpu.memory_space<vmem_shared>>) target_semaphore(%run_scoped3A : memref<!tpu.dma_semaphore, #tpu.memory_space<semaphore_mem>>)
      %dma_wait3A = arith.constant 0 : i32
      %dma_wait3A_12 = tpu.memref_slice %arg8[%mul3A_2, %dma_wait3A] : memref<10240x16xf32, #tpu.memory_space<vmem_shared>> -> memref<640x16xf32, #tpu.memory_space<vmem_shared>>
      %dma_wait3A_13 = arith.constant 0 : i32
      %dma_wait3A_14 = tpu.memref_slice %arg4[%mul3A_2, %dma_wait3A_13] : memref<10240x16xf32, #tpu.memory_space<hbm>> -> memref<640x16xf32, #tpu.memory_space<hbm>>
      tpu.wait_dma2 semaphore(%run_scoped3A : memref<!tpu.dma_semaphore, #tpu.memory_space<semaphore_mem>>) src(%dma_wait3A_14 : memref<640x16xf32, #tpu.memory_space<hbm>>) dst(%dma_wait3A_12 : memref<640x16xf32, #tpu.memory_space<vmem_shared>>)
      tpu.yield
    }) : () -> ()
    %barrier3A = arith.constant 0 : index
    tpu.barrier barrier_id(%barrier3A)
    %scan3A = arith.constant 0 : i32
    %scan3A_3 = arith.constant 0 : i32
    %scan3A_4 = arith.constant 125 : i32
    %scan3A_5 = arith.addi %scan3A_3, %scan3A_4 : i32
    %scan3A_6 = arith.constant 1 : i32
    scf.for %scan3A_9 = %scan3A_3 to %scan3A_5 step %scan3A_6  : i32 {
      "tpu.region"() ({
        %run_scoped3A = tpu.sem_alloc : memref<!tpu.dma_semaphore, #tpu.memory_space<semaphore_mem>>
        %dma_start3A = arith.constant 0 : i32
        %dma_start3A_10 = tpu.memref_slice %arg6[%scan3A_9, %dma_start3A] : memref<125x80xi32, #tpu.memory_space<vmem>> -> memref<1x80xi32, #tpu.memory_space<vmem>>
        %dma_start3A_11 = tpu.memref_squeeze %dma_start3A_10 : memref<1x80xi32, #tpu.memory_space<vmem>> -> memref<80xi32, #tpu.memory_space<vmem>>
        %dma_start3A_12 = arith.constant 0 : i32
        %dma_start3A_13 = arith.constant 0 : i32
        %dma_start3A_14 = tpu.memref_slice %arg8[%dma_start3A_12, %dma_start3A_13] : memref<10240x16xf32, #tpu.memory_space<vmem_shared>> -> memref<10240x16xf32, #tpu.memory_space<vmem_shared>>
        tpu.enqueue_indirect_dma source(%arg7 : memref<80x16xf32, #tpu.memory_space<vmem>>) target(%dma_start3A_14 : memref<10240x16xf32, #tpu.memory_space<vmem_shared>>) offsets(%dma_start3A_11 : memref<80xi32, #tpu.memory_space<vmem>>) semaphore(%run_scoped3A : memref<!tpu.dma_semaphore, #tpu.memory_space<semaphore_mem>>) {add = true}
        %dma_wait3A = arith.constant 0 : i32
        %dma_wait3A_15 = tpu.memref_slice %arg6[%scan3A_9, %dma_wait3A] : memref<125x80xi32, #tpu.memory_space<vmem>> -> memref<1x80xi32, #tpu.memory_space<vmem>>
        %dma_wait3A_16 = tpu.memref_squeeze %dma_wait3A_15 : memref<1x80xi32, #tpu.memory_space<vmem>> -> memref<80xi32, #tpu.memory_space<vmem>>
        %dma_wait3A_17 = arith.constant 0 : i32
        %dma_wait3A_18 = arith.constant 0 : i32
        %dma_wait3A_19 = tpu.memref_slice %arg8[%dma_wait3A_17, %dma_wait3A_18] : memref<10240x16xf32, #tpu.memory_space<vmem_shared>> -> memref<10240x16xf32, #tpu.memory_space<vmem_shared>>
        tpu.wait_indirect_dma semaphore(%run_scoped3A : memref<!tpu.dma_semaphore, #tpu.memory_space<semaphore_mem>>) src(%arg7 : memref<80x16xf32, #tpu.memory_space<vmem>>) dst(%dma_wait3A_19 : memref<10240x16xf32, #tpu.memory_space<vmem_shared>>)
        tpu.yield
      }) : () -> ()
    }
    %scan3A_7 = arith.constant 125 : i32
    %barrier3A_8 = arith.constant 0 : index
    tpu.barrier barrier_id(%barrier3A_8)
    "tpu.region"() ({
      %run_scoped3A = tpu.sem_alloc : memref<!tpu.dma_semaphore, #tpu.memory_space<semaphore_mem>>
      %dma_start3A = arith.constant 0 : i32
      %dma_start3A_9 = tpu.memref_slice %arg5[%arg0, %mul3A_2, %dma_start3A] : memref<2x10240x16xf32, #tpu.memory_space<hbm>> -> memref<1x640x16xf32, #tpu.memory_space<hbm>>
      %dma_start3A_10 = tpu.memref_squeeze %dma_start3A_9 : memref<1x640x16xf32, #tpu.memory_space<hbm>> -> memref<640x16xf32, #tpu.memory_space<hbm>>
      %dma_start3A_11 = arith.constant 0 : i32
      %dma_start3A_12 = tpu.memref_slice %arg8[%mul3A_2, %dma_start3A_11] : memref<10240x16xf32, #tpu.memory_space<vmem_shared>> -> memref<640x16xf32, #tpu.memory_space<vmem_shared>>
      tpu.enqueue_dma source(%dma_start3A_12 : memref<640x16xf32, #tpu.memory_space<vmem_shared>>) target(%dma_start3A_10 : memref<640x16xf32, #tpu.memory_space<hbm>>) target_semaphore(%run_scoped3A : memref<!tpu.dma_semaphore, #tpu.memory_space<semaphore_mem>>)
      %dma_wait3A = arith.constant 0 : i32
      %dma_wait3A_13 = tpu.memref_slice %arg5[%arg0, %mul3A_2, %dma_wait3A] : memref<2x10240x16xf32, #tpu.memory_space<hbm>> -> memref<1x640x16xf32, #tpu.memory_space<hbm>>
      %dma_wait3A_14 = tpu.memref_squeeze %dma_wait3A_13 : memref<1x640x16xf32, #tpu.memory_space<hbm>> -> memref<640x16xf32, #tpu.memory_space<hbm>>
      %dma_wait3A_15 = arith.constant 0 : i32
      %dma_wait3A_16 = tpu.memref_slice %arg8[%mul3A_2, %dma_wait3A_15] : memref<10240x16xf32, #tpu.memory_space<vmem_shared>> -> memref<640x16xf32, #tpu.memory_space<vmem_shared>>
      tpu.wait_dma2 semaphore(%run_scoped3A : memref<!tpu.dma_semaphore, #tpu.memory_space<semaphore_mem>>) src(%dma_wait3A_16 : memref<640x16xf32, #tpu.memory_space<vmem_shared>>) dst(%dma_wait3A_14 : memref<640x16xf32, #tpu.memory_space<hbm>>)
      tpu.yield
    }) : () -> ()
    return
  }
}

#map = affine_map<(d0, d1) -> (0, 0)>
#map1 = affine_map<(d0, d1) -> (0, 0, 0)>
#map2 = affine_map<(d0, d1) -> (0)>
module attributes {stable_mosaic.version = 14 : i64} {
  func.func @_edge_body(%arg0: i32, %arg1: i32, %arg2: memref<10000x128xf32, #tpu.memory_space<hbm>>, %arg3: memref<32x125x80xi32, #tpu.memory_space<hbm>>, %arg4: memref<320000xi32, #tpu.memory_space<hbm>>, %arg5: memref<10240x128xf32, #tpu.memory_space<hbm>>, %arg6: memref<2x10240x128xf32, #tpu.memory_space<hbm>>, %arg7: memref<125x80xi32, #tpu.memory_space<vmem>>, %arg8: memref<10000xi32, #tpu.memory_space<vmem>>, %arg9: memref<80x128xf32, #tpu.memory_space<vmem>>, %arg10: memref<80x128xf32, #tpu.memory_space<vmem>>, %arg11: memref<10240x128xf32, #tpu.memory_space<vmem_shared>>, %arg12: memref<!tpu.dma_semaphore, #tpu.memory_space<semaphore_mem>>, %arg13: memref<!tpu.dma_semaphore, #tpu.memory_space<semaphore_mem>>) attributes {dimension_semantics = [#tpu.dimension_semantics<core_parallel>, #tpu.dimension_semantics<subcore_parallel>], iteration_bounds = array<i64: 2, 16>, scalar_prefetch = 0 : i64, scratch_operands = 7 : i64, tpu.core_type = #tpu.core_type<sc_vector_subcore>, window_params = [{transform_indices = #map}, {transform_indices = #map1}, {transform_indices = #map2}, {transform_indices = #map}, {transform_indices = #map1}]} {
    %mul3A = arith.constant 16 : i32
    %mul3A_0 = arith.muli %arg0, %mul3A : i32
    %add3A = arith.addi %mul3A_0, %arg1 : i32
    "tpu.region"() ({
      %run_scoped3A_19 = tpu.sem_alloc : memref<!tpu.dma_semaphore, #tpu.memory_space<semaphore_mem>>
      %dma_start3A_20 = arith.constant 0 : i32
      %dma_start3A_21 = arith.constant 0 : i32
      %dma_start3A_22 = tpu.memref_slice %arg3[%add3A, %dma_start3A_20, %dma_start3A_21] : memref<32x125x80xi32, #tpu.memory_space<hbm>> -> memref<1x125x80xi32, #tpu.memory_space<hbm>>
      %dma_start3A_23 = tpu.memref_squeeze %dma_start3A_22 : memref<1x125x80xi32, #tpu.memory_space<hbm>> -> memref<125x80xi32, #tpu.memory_space<hbm>>
      %dma_start3A_24 = arith.constant 0 : i32
      %dma_start3A_25 = arith.constant 0 : i32
      %dma_start3A_26 = tpu.memref_slice %arg3[%add3A, %dma_start3A_24, %dma_start3A_25] : memref<32x125x80xi32, #tpu.memory_space<hbm>> -> memref<1x125x80xi32, #tpu.memory_space<hbm>>
      %dma_start3A_27 = tpu.memref_squeeze %dma_start3A_26 : memref<1x125x80xi32, #tpu.memory_space<hbm>> -> memref<125x80xi32, #tpu.memory_space<hbm>>
      tpu.enqueue_dma source(%dma_start3A_27 : memref<125x80xi32, #tpu.memory_space<hbm>>) target(%arg7 : memref<125x80xi32, #tpu.memory_space<vmem>>) target_semaphore(%run_scoped3A_19 : memref<!tpu.dma_semaphore, #tpu.memory_space<semaphore_mem>>)
      %dma_wait3A_28 = arith.constant 0 : i32
      %dma_wait3A_29 = arith.constant 0 : i32
      %dma_wait3A_30 = tpu.memref_slice %arg3[%add3A, %dma_wait3A_28, %dma_wait3A_29] : memref<32x125x80xi32, #tpu.memory_space<hbm>> -> memref<1x125x80xi32, #tpu.memory_space<hbm>>
      %dma_wait3A_31 = tpu.memref_squeeze %dma_wait3A_30 : memref<1x125x80xi32, #tpu.memory_space<hbm>> -> memref<125x80xi32, #tpu.memory_space<hbm>>
      %dma_wait3A_32 = arith.constant 0 : i32
      %dma_wait3A_33 = arith.constant 0 : i32
      %dma_wait3A_34 = tpu.memref_slice %arg3[%add3A, %dma_wait3A_32, %dma_wait3A_33] : memref<32x125x80xi32, #tpu.memory_space<hbm>> -> memref<1x125x80xi32, #tpu.memory_space<hbm>>
      %dma_wait3A_35 = tpu.memref_squeeze %dma_wait3A_34 : memref<1x125x80xi32, #tpu.memory_space<hbm>> -> memref<125x80xi32, #tpu.memory_space<hbm>>
      tpu.wait_dma2 semaphore(%run_scoped3A_19 : memref<!tpu.dma_semaphore, #tpu.memory_space<semaphore_mem>>) src(%dma_wait3A_35 : memref<125x80xi32, #tpu.memory_space<hbm>>) dst(%arg7 : memref<125x80xi32, #tpu.memory_space<vmem>>)
      tpu.yield
    }) : () -> ()
    %mul3A_1 = arith.constant 10000 : i32
    %mul3A_2 = arith.muli %add3A, %mul3A_1 : i32
    "tpu.region"() ({
      %run_scoped3A_19 = tpu.sem_alloc : memref<!tpu.dma_semaphore, #tpu.memory_space<semaphore_mem>>
      %dma_start3A_20 = tpu.memref_slice %arg4[%mul3A_2] : memref<320000xi32, #tpu.memory_space<hbm>> -> memref<10000xi32, #tpu.memory_space<hbm>>
      %dma_start3A_21 = tpu.memref_slice %arg4[%mul3A_2] : memref<320000xi32, #tpu.memory_space<hbm>> -> memref<10000xi32, #tpu.memory_space<hbm>>
      tpu.enqueue_dma source(%dma_start3A_21 : memref<10000xi32, #tpu.memory_space<hbm>>) target(%arg8 : memref<10000xi32, #tpu.memory_space<vmem>>) target_semaphore(%run_scoped3A_19 : memref<!tpu.dma_semaphore, #tpu.memory_space<semaphore_mem>>)
      %dma_wait3A_22 = tpu.memref_slice %arg4[%mul3A_2] : memref<320000xi32, #tpu.memory_space<hbm>> -> memref<10000xi32, #tpu.memory_space<hbm>>
      %dma_wait3A_23 = tpu.memref_slice %arg4[%mul3A_2] : memref<320000xi32, #tpu.memory_space<hbm>> -> memref<10000xi32, #tpu.memory_space<hbm>>
      tpu.wait_dma2 semaphore(%run_scoped3A_19 : memref<!tpu.dma_semaphore, #tpu.memory_space<semaphore_mem>>) src(%dma_wait3A_23 : memref<10000xi32, #tpu.memory_space<hbm>>) dst(%arg8 : memref<10000xi32, #tpu.memory_space<vmem>>)
      tpu.yield
    }) : () -> ()
    %mul3A_3 = arith.constant 640 : i32
    %mul3A_4 = arith.muli %arg1, %mul3A_3 : i32
    "tpu.region"() ({
      %run_scoped3A_19 = tpu.sem_alloc : memref<!tpu.dma_semaphore, #tpu.memory_space<semaphore_mem>>
      %dma_start3A_20 = arith.constant 0 : i32
      %dma_start3A_21 = tpu.memref_slice %arg11[%mul3A_4, %dma_start3A_20] : memref<10240x128xf32, #tpu.memory_space<vmem_shared>> -> memref<640x128xf32, #tpu.memory_space<vmem_shared>>
      %dma_start3A_22 = arith.constant 0 : i32
      %dma_start3A_23 = tpu.memref_slice %arg5[%mul3A_4, %dma_start3A_22] : memref<10240x128xf32, #tpu.memory_space<hbm>> -> memref<640x128xf32, #tpu.memory_space<hbm>>
      tpu.enqueue_dma source(%dma_start3A_23 : memref<640x128xf32, #tpu.memory_space<hbm>>) target(%dma_start3A_21 : memref<640x128xf32, #tpu.memory_space<vmem_shared>>) target_semaphore(%run_scoped3A_19 : memref<!tpu.dma_semaphore, #tpu.memory_space<semaphore_mem>>)
      %dma_wait3A_24 = arith.constant 0 : i32
      %dma_wait3A_25 = tpu.memref_slice %arg11[%mul3A_4, %dma_wait3A_24] : memref<10240x128xf32, #tpu.memory_space<vmem_shared>> -> memref<640x128xf32, #tpu.memory_space<vmem_shared>>
      %dma_wait3A_26 = arith.constant 0 : i32
      %dma_wait3A_27 = tpu.memref_slice %arg5[%mul3A_4, %dma_wait3A_26] : memref<10240x128xf32, #tpu.memory_space<hbm>> -> memref<640x128xf32, #tpu.memory_space<hbm>>
      tpu.wait_dma2 semaphore(%run_scoped3A_19 : memref<!tpu.dma_semaphore, #tpu.memory_space<semaphore_mem>>) src(%dma_wait3A_27 : memref<640x128xf32, #tpu.memory_space<hbm>>) dst(%dma_wait3A_25 : memref<640x128xf32, #tpu.memory_space<vmem_shared>>)
      tpu.yield
    }) : () -> ()
    %barrier3A = arith.constant 0 : index
    tpu.barrier barrier_id(%barrier3A)
    %dma_start3A = arith.constant 0 : i32
    %dma_start3A_5 = tpu.memref_slice %arg8[%dma_start3A] : memref<10000xi32, #tpu.memory_space<vmem>> -> memref<80xi32, #tpu.memory_space<vmem>>
    %dma_start3A_6 = arith.constant 0 : i32
    %dma_start3A_7 = arith.constant 0 : i32
    %dma_start3A_8 = tpu.memref_slice %arg2[%dma_start3A_6, %dma_start3A_7] : memref<10000x128xf32, #tpu.memory_space<hbm>> -> memref<10000x128xf32, #tpu.memory_space<hbm>>
    tpu.enqueue_indirect_dma source(%dma_start3A_8 : memref<10000x128xf32, #tpu.memory_space<hbm>>) target(%arg9 : memref<80x128xf32, #tpu.memory_space<vmem>>) offsets(%dma_start3A_5 : memref<80xi32, #tpu.memory_space<vmem>>) semaphore(%arg12 : memref<!tpu.dma_semaphore, #tpu.memory_space<semaphore_mem>>)
    %scan3A = arith.constant 0 : i32
    %scan3A_9 = arith.constant 0 : i32
    %scan3A_10 = arith.constant 62 : i32
    %scan3A_11 = arith.addi %scan3A_9, %scan3A_10 : i32
    %scan3A_12 = arith.constant 1 : i32
    scf.for %scan3A_19 = %scan3A_9 to %scan3A_11 step %scan3A_12  : i32 {
      %mul3A_20 = arith.constant 2 : i32
      %mul3A_21 = arith.muli %mul3A_20, %scan3A_19 : i32
      %mul3A_22 = arith.constant 2 : i32
      %mul3A_23 = arith.muli %mul3A_22, %scan3A_19 : i32
      %add3A_24 = arith.constant 1 : i32
      %add3A_25 = arith.addi %mul3A_23, %add3A_24 : i32
      %mul3A_26 = arith.constant 80 : i32
      %mul3A_27 = arith.muli %add3A_25, %mul3A_26 : i32
      %dma_start3A_28 = tpu.memref_slice %arg8[%mul3A_27] : memref<10000xi32, #tpu.memory_space<vmem>> -> memref<80xi32, #tpu.memory_space<vmem>>
      %dma_start3A_29 = arith.constant 0 : i32
      %dma_start3A_30 = arith.constant 0 : i32
      %dma_start3A_31 = tpu.memref_slice %arg2[%dma_start3A_29, %dma_start3A_30] : memref<10000x128xf32, #tpu.memory_space<hbm>> -> memref<10000x128xf32, #tpu.memory_space<hbm>>
      tpu.enqueue_indirect_dma source(%dma_start3A_31 : memref<10000x128xf32, #tpu.memory_space<hbm>>) target(%arg10 : memref<80x128xf32, #tpu.memory_space<vmem>>) offsets(%dma_start3A_28 : memref<80xi32, #tpu.memory_space<vmem>>) semaphore(%arg13 : memref<!tpu.dma_semaphore, #tpu.memory_space<semaphore_mem>>)
      %mul3A_32 = arith.constant 80 : i32
      %mul3A_33 = arith.muli %mul3A_21, %mul3A_32 : i32
      %dma_wait3A_34 = tpu.memref_slice %arg8[%mul3A_33] : memref<10000xi32, #tpu.memory_space<vmem>> -> memref<80xi32, #tpu.memory_space<vmem>>
      %dma_wait3A_35 = arith.constant 0 : i32
      %dma_wait3A_36 = arith.constant 0 : i32
      %dma_wait3A_37 = tpu.memref_slice %arg2[%dma_wait3A_35, %dma_wait3A_36] : memref<10000x128xf32, #tpu.memory_space<hbm>> -> memref<10000x128xf32, #tpu.memory_space<hbm>>
      tpu.wait_indirect_dma semaphore(%arg12 : memref<!tpu.dma_semaphore, #tpu.memory_space<semaphore_mem>>) src(%dma_wait3A_37 : memref<10000x128xf32, #tpu.memory_space<hbm>>) dst(%arg9 : memref<80x128xf32, #tpu.memory_space<vmem>>)
      "tpu.region"() ({
        %run_scoped3A_52 = tpu.sem_alloc : memref<!tpu.dma_semaphore, #tpu.memory_space<semaphore_mem>>
        %dma_start3A_53 = arith.constant 0 : i32
        %dma_start3A_54 = tpu.memref_slice %arg7[%mul3A_21, %dma_start3A_53] : memref<125x80xi32, #tpu.memory_space<vmem>> -> memref<1x80xi32, #tpu.memory_space<vmem>>
        %dma_start3A_55 = tpu.memref_squeeze %dma_start3A_54 : memref<1x80xi32, #tpu.memory_space<vmem>> -> memref<80xi32, #tpu.memory_space<vmem>>
        %dma_start3A_56 = arith.constant 0 : i32
        %dma_start3A_57 = arith.constant 0 : i32
        %dma_start3A_58 = tpu.memref_slice %arg11[%dma_start3A_56, %dma_start3A_57] : memref<10240x128xf32, #tpu.memory_space<vmem_shared>> -> memref<10240x128xf32, #tpu.memory_space<vmem_shared>>
        tpu.enqueue_indirect_dma source(%arg9 : memref<80x128xf32, #tpu.memory_space<vmem>>) target(%dma_start3A_58 : memref<10240x128xf32, #tpu.memory_space<vmem_shared>>) offsets(%dma_start3A_55 : memref<80xi32, #tpu.memory_space<vmem>>) semaphore(%run_scoped3A_52 : memref<!tpu.dma_semaphore, #tpu.memory_space<semaphore_mem>>) {add = true}
        %dma_wait3A_59 = arith.constant 0 : i32
        %dma_wait3A_60 = tpu.memref_slice %arg7[%mul3A_21, %dma_wait3A_59] : memref<125x80xi32, #tpu.memory_space<vmem>> -> memref<1x80xi32, #tpu.memory_space<vmem>>
        %dma_wait3A_61 = tpu.memref_squeeze %dma_wait3A_60 : memref<1x80xi32, #tpu.memory_space<vmem>> -> memref<80xi32, #tpu.memory_space<vmem>>
        %dma_wait3A_62 = arith.constant 0 : i32
        %dma_wait3A_63 = arith.constant 0 : i32
        %dma_wait3A_64 = tpu.memref_slice %arg11[%dma_wait3A_62, %dma_wait3A_63] : memref<10240x128xf32, #tpu.memory_space<vmem_shared>> -> memref<10240x128xf32, #tpu.memory_space<vmem_shared>>
        tpu.wait_indirect_dma semaphore(%run_scoped3A_52 : memref<!tpu.dma_semaphore, #tpu.memory_space<semaphore_mem>>) src(%arg9 : memref<80x128xf32, #tpu.memory_space<vmem>>) dst(%dma_wait3A_64 : memref<10240x128xf32, #tpu.memory_space<vmem_shared>>)
        tpu.yield
      }) : () -> ()
      %add3A_38 = arith.constant 1 : i32
      %add3A_39 = arith.addi %add3A_25, %add3A_38 : i32
      %mul3A_40 = arith.constant 80 : i32
      %mul3A_41 = arith.muli %add3A_39, %mul3A_40 : i32
      %dma_start3A_42 = tpu.memref_slice %arg8[%mul3A_41] : memref<10000xi32, #tpu.memory_space<vmem>> -> memref<80xi32, #tpu.memory_space<vmem>>
      %dma_start3A_43 = arith.constant 0 : i32
      %dma_start3A_44 = arith.constant 0 : i32
      %dma_start3A_45 = tpu.memref_slice %arg2[%dma_start3A_43, %dma_start3A_44] : memref<10000x128xf32, #tpu.memory_space<hbm>> -> memref<10000x128xf32, #tpu.memory_space<hbm>>
      tpu.enqueue_indirect_dma source(%dma_start3A_45 : memref<10000x128xf32, #tpu.memory_space<hbm>>) target(%arg9 : memref<80x128xf32, #tpu.memory_space<vmem>>) offsets(%dma_start3A_42 : memref<80xi32, #tpu.memory_space<vmem>>) semaphore(%arg12 : memref<!tpu.dma_semaphore, #tpu.memory_space<semaphore_mem>>)
      %mul3A_46 = arith.constant 80 : i32
      %mul3A_47 = arith.muli %add3A_25, %mul3A_46 : i32
      %dma_wait3A_48 = tpu.memref_slice %arg8[%mul3A_47] : memref<10000xi32, #tpu.memory_space<vmem>> -> memref<80xi32, #tpu.memory_space<vmem>>
      %dma_wait3A_49 = arith.constant 0 : i32
      %dma_wait3A_50 = arith.constant 0 : i32
      %dma_wait3A_51 = tpu.memref_slice %arg2[%dma_wait3A_49, %dma_wait3A_50] : memref<10000x128xf32, #tpu.memory_space<hbm>> -> memref<10000x128xf32, #tpu.memory_space<hbm>>
      tpu.wait_indirect_dma semaphore(%arg13 : memref<!tpu.dma_semaphore, #tpu.memory_space<semaphore_mem>>) src(%dma_wait3A_51 : memref<10000x128xf32, #tpu.memory_space<hbm>>) dst(%arg10 : memref<80x128xf32, #tpu.memory_space<vmem>>)
      "tpu.region"() ({
        %run_scoped3A_52 = tpu.sem_alloc : memref<!tpu.dma_semaphore, #tpu.memory_space<semaphore_mem>>
        %dma_start3A_53 = arith.constant 0 : i32
        %dma_start3A_54 = tpu.memref_slice %arg7[%add3A_25, %dma_start3A_53] : memref<125x80xi32, #tpu.memory_space<vmem>> -> memref<1x80xi32, #tpu.memory_space<vmem>>
        %dma_start3A_55 = tpu.memref_squeeze %dma_start3A_54 : memref<1x80xi32, #tpu.memory_space<vmem>> -> memref<80xi32, #tpu.memory_space<vmem>>
        %dma_start3A_56 = arith.constant 0 : i32
        %dma_start3A_57 = arith.constant 0 : i32
        %dma_start3A_58 = tpu.memref_slice %arg11[%dma_start3A_56, %dma_start3A_57] : memref<10240x128xf32, #tpu.memory_space<vmem_shared>> -> memref<10240x128xf32, #tpu.memory_space<vmem_shared>>
        tpu.enqueue_indirect_dma source(%arg10 : memref<80x128xf32, #tpu.memory_space<vmem>>) target(%dma_start3A_58 : memref<10240x128xf32, #tpu.memory_space<vmem_shared>>) offsets(%dma_start3A_55 : memref<80xi32, #tpu.memory_space<vmem>>) semaphore(%run_scoped3A_52 : memref<!tpu.dma_semaphore, #tpu.memory_space<semaphore_mem>>) {add = true}
        %dma_wait3A_59 = arith.constant 0 : i32
        %dma_wait3A_60 = tpu.memref_slice %arg7[%add3A_25, %dma_wait3A_59] : memref<125x80xi32, #tpu.memory_space<vmem>> -> memref<1x80xi32, #tpu.memory_space<vmem>>
        %dma_wait3A_61 = tpu.memref_squeeze %dma_wait3A_60 : memref<1x80xi32, #tpu.memory_space<vmem>> -> memref<80xi32, #tpu.memory_space<vmem>>
        %dma_wait3A_62 = arith.constant 0 : i32
        %dma_wait3A_63 = arith.constant 0 : i32
        %dma_wait3A_64 = tpu.memref_slice %arg11[%dma_wait3A_62, %dma_wait3A_63] : memref<10240x128xf32, #tpu.memory_space<vmem_shared>> -> memref<10240x128xf32, #tpu.memory_space<vmem_shared>>
        tpu.wait_indirect_dma semaphore(%run_scoped3A_52 : memref<!tpu.dma_semaphore, #tpu.memory_space<semaphore_mem>>) src(%arg10 : memref<80x128xf32, #tpu.memory_space<vmem>>) dst(%dma_wait3A_64 : memref<10240x128xf32, #tpu.memory_space<vmem_shared>>)
        tpu.yield
      }) : () -> ()
    }
    %scan3A_13 = arith.constant 62 : i32
    %dma_wait3A = arith.constant 9920 : i32
    %dma_wait3A_14 = tpu.memref_slice %arg8[%dma_wait3A] : memref<10000xi32, #tpu.memory_space<vmem>> -> memref<80xi32, #tpu.memory_space<vmem>>
    %dma_wait3A_15 = arith.constant 0 : i32
    %dma_wait3A_16 = arith.constant 0 : i32
    %dma_wait3A_17 = tpu.memref_slice %arg2[%dma_wait3A_15, %dma_wait3A_16] : memref<10000x128xf32, #tpu.memory_space<hbm>> -> memref<10000x128xf32, #tpu.memory_space<hbm>>
    tpu.wait_indirect_dma semaphore(%arg12 : memref<!tpu.dma_semaphore, #tpu.memory_space<semaphore_mem>>) src(%dma_wait3A_17 : memref<10000x128xf32, #tpu.memory_space<hbm>>) dst(%arg9 : memref<80x128xf32, #tpu.memory_space<vmem>>)
    %run_scoped3A = arith.constant 124 : i32
    "tpu.region"() ({
      %run_scoped3A_19 = tpu.sem_alloc : memref<!tpu.dma_semaphore, #tpu.memory_space<semaphore_mem>>
      %dma_start3A_20 = arith.constant 0 : i32
      %dma_start3A_21 = tpu.memref_slice %arg7[%run_scoped3A, %dma_start3A_20] : memref<125x80xi32, #tpu.memory_space<vmem>> -> memref<1x80xi32, #tpu.memory_space<vmem>>
      %dma_start3A_22 = tpu.memref_squeeze %dma_start3A_21 : memref<1x80xi32, #tpu.memory_space<vmem>> -> memref<80xi32, #tpu.memory_space<vmem>>
      %dma_start3A_23 = arith.constant 0 : i32
      %dma_start3A_24 = arith.constant 0 : i32
      %dma_start3A_25 = tpu.memref_slice %arg11[%dma_start3A_23, %dma_start3A_24] : memref<10240x128xf32, #tpu.memory_space<vmem_shared>> -> memref<10240x128xf32, #tpu.memory_space<vmem_shared>>
      tpu.enqueue_indirect_dma source(%arg9 : memref<80x128xf32, #tpu.memory_space<vmem>>) target(%dma_start3A_25 : memref<10240x128xf32, #tpu.memory_space<vmem_shared>>) offsets(%dma_start3A_22 : memref<80xi32, #tpu.memory_space<vmem>>) semaphore(%run_scoped3A_19 : memref<!tpu.dma_semaphore, #tpu.memory_space<semaphore_mem>>) {add = true}
      %dma_wait3A_26 = arith.constant 0 : i32
      %dma_wait3A_27 = tpu.memref_slice %arg7[%run_scoped3A, %dma_wait3A_26] : memref<125x80xi32, #tpu.memory_space<vmem>> -> memref<1x80xi32, #tpu.memory_space<vmem>>
      %dma_wait3A_28 = tpu.memref_squeeze %dma_wait3A_27 : memref<1x80xi32, #tpu.memory_space<vmem>> -> memref<80xi32, #tpu.memory_space<vmem>>
      %dma_wait3A_29 = arith.constant 0 : i32
      %dma_wait3A_30 = arith.constant 0 : i32
      %dma_wait3A_31 = tpu.memref_slice %arg11[%dma_wait3A_29, %dma_wait3A_30] : memref<10240x128xf32, #tpu.memory_space<vmem_shared>> -> memref<10240x128xf32, #tpu.memory_space<vmem_shared>>
      tpu.wait_indirect_dma semaphore(%run_scoped3A_19 : memref<!tpu.dma_semaphore, #tpu.memory_space<semaphore_mem>>) src(%arg9 : memref<80x128xf32, #tpu.memory_space<vmem>>) dst(%dma_wait3A_31 : memref<10240x128xf32, #tpu.memory_space<vmem_shared>>)
      tpu.yield
    }) : () -> ()
    %barrier3A_18 = arith.constant 0 : index
    tpu.barrier barrier_id(%barrier3A_18)
    "tpu.region"() ({
      %run_scoped3A_19 = tpu.sem_alloc : memref<!tpu.dma_semaphore, #tpu.memory_space<semaphore_mem>>
      %dma_start3A_20 = arith.constant 0 : i32
      %dma_start3A_21 = tpu.memref_slice %arg6[%arg0, %mul3A_4, %dma_start3A_20] : memref<2x10240x128xf32, #tpu.memory_space<hbm>> -> memref<1x640x128xf32, #tpu.memory_space<hbm>>
      %dma_start3A_22 = tpu.memref_squeeze %dma_start3A_21 : memref<1x640x128xf32, #tpu.memory_space<hbm>> -> memref<640x128xf32, #tpu.memory_space<hbm>>
      %dma_start3A_23 = arith.constant 0 : i32
      %dma_start3A_24 = tpu.memref_slice %arg11[%mul3A_4, %dma_start3A_23] : memref<10240x128xf32, #tpu.memory_space<vmem_shared>> -> memref<640x128xf32, #tpu.memory_space<vmem_shared>>
      tpu.enqueue_dma source(%dma_start3A_24 : memref<640x128xf32, #tpu.memory_space<vmem_shared>>) target(%dma_start3A_22 : memref<640x128xf32, #tpu.memory_space<hbm>>) target_semaphore(%run_scoped3A_19 : memref<!tpu.dma_semaphore, #tpu.memory_space<semaphore_mem>>)
      %dma_wait3A_25 = arith.constant 0 : i32
      %dma_wait3A_26 = tpu.memref_slice %arg6[%arg0, %mul3A_4, %dma_wait3A_25] : memref<2x10240x128xf32, #tpu.memory_space<hbm>> -> memref<1x640x128xf32, #tpu.memory_space<hbm>>
      %dma_wait3A_27 = tpu.memref_squeeze %dma_wait3A_26 : memref<1x640x128xf32, #tpu.memory_space<hbm>> -> memref<640x128xf32, #tpu.memory_space<hbm>>
      %dma_wait3A_28 = arith.constant 0 : i32
      %dma_wait3A_29 = tpu.memref_slice %arg11[%mul3A_4, %dma_wait3A_28] : memref<10240x128xf32, #tpu.memory_space<vmem_shared>> -> memref<640x128xf32, #tpu.memory_space<vmem_shared>>
      tpu.wait_dma2 semaphore(%run_scoped3A_19 : memref<!tpu.dma_semaphore, #tpu.memory_space<semaphore_mem>>) src(%dma_wait3A_29 : memref<640x128xf32, #tpu.memory_space<vmem_shared>>) dst(%dma_wait3A_27 : memref<640x128xf32, #tpu.memory_space<hbm>>)
      tpu.yield
    }) : () -> ()
    return
  }
}

module attributes {stable_mosaic.version = 14 : i64} {
  func.func @_pre_body(%arg0: i32, %arg1: memref<400x128xf32, #tpu.memory_space<vmem>>, %arg2: memref<128x128xf32, #tpu.memory_space<vmem>>, %arg3: memref<2x400x16xf32, #tpu.memory_space<vmem>>, %arg4: memref<400x128xf32, #tpu.memory_space<vmem>>, %arg5: memref<400x128xf32, #tpu.memory_space<vmem>>) attributes {dimension_semantics = [#tpu.dimension_semantics<arbitrary>], iteration_bounds = array<i64: 25>, scalar_prefetch = 0 : i64, scratch_operands = 0 : i64, tpu.core_type = #tpu.core_type<tc>, window_params = [{transform_indices = @transform_0, window_bounds = array<i64: 400, 128>}, {pipeline_mode = #tpu.pipeline_mode<synchronous>, transform_indices = @transform_1, window_bounds = array<i64: 128, 128>}, {transform_indices = @transform_2, window_bounds = array<i64: 2, 400, 16>}, {transform_indices = @transform_3, window_bounds = array<i64: 400, 128>}, {transform_indices = @transform_4, window_bounds = array<i64: 400, 128>}]} {
    %get3A = arith.constant 0 : index
    %get3A_0 = arith.constant 0 : index
    %get3A_1 = vector.load %arg1[%get3A, %get3A_0] : memref<400x128xf32, #tpu.memory_space<vmem>>, vector<400x128xf32>
    %get3A_2 = arith.constant 0 : index
    %get3A_3 = arith.constant 0 : index
    %get3A_4 = vector.load %arg2[%get3A_2, %get3A_3] : memref<128x128xf32, #tpu.memory_space<vmem>>, vector<128x128xf32>
    %dot_general3A = arith.constant dense<0.000000e+00> : vector<400x128xf32>
    %dot_general3A_5 = tpu.matmul %get3A_1, %get3A_4, %dot_general3A {dimension_numbers = #tpu.dot_dimension_numbers<[1], [1], [0], [0], [0, 0, 1, 0], [], []>, transpose_lhs_hint = false} : vector<400x128xf32>, vector<128x128xf32>, vector<400x128xf32> -> vector<400x128xf32>
    %get3A_6 = arith.constant 0 : index
    %get3A_7 = arith.constant 0 : index
    %get3A_8 = arith.constant 0 : index
    %get3A_9 = vector.load %arg3[%get3A_6, %get3A_7, %get3A_8] : memref<2x400x16xf32, #tpu.memory_space<vmem>>, vector<1x400x1xf32>
    %get3A_10 = vector.shape_cast %get3A_9 : vector<1x400x1xf32> to vector<400x1xf32>
    %get3A_11 = arith.constant 1 : index
    %get3A_12 = arith.constant 0 : index
    %get3A_13 = arith.constant 0 : index
    %get3A_14 = vector.load %arg3[%get3A_11, %get3A_12, %get3A_13] : memref<2x400x16xf32, #tpu.memory_space<vmem>>, vector<1x400x1xf32>
    %get3A_15 = vector.shape_cast %get3A_14 : vector<1x400x1xf32> to vector<400x1xf32>
    %add3A = arith.addf %get3A_10, %get3A_15 : vector<400x1xf32>
    %add3A_16 = arith.constant 1.000000e+00 : f32
    %add3A_17 = vector.broadcast %add3A_16 : f32 to vector<400x1xf32>
    %add3A_18 = arith.addf %add3A, %add3A_17 : vector<400x1xf32>
    %swap3A = arith.constant 0 : index
    %swap3A_19 = arith.constant 0 : index
    %swap3A_20 = vector.load %arg4[%swap3A, %swap3A_19] : memref<400x128xf32, #tpu.memory_space<vmem>>, vector<400x128xf32>
    tpu.vector_store %arg4[%swap3A, %swap3A_19], %dot_general3A_5 {strides = array<i32>} : memref<400x128xf32, #tpu.memory_space<vmem>>, vector<400x128xf32>,
    %sqrt3A = math.sqrt %add3A_18 : vector<400x1xf32>
    %div3A = arith.constant 1.000000e+00 : f32
    %div3A_21 = vector.broadcast %div3A : f32 to vector<400x1xf32>
    %div3A_22 = arith.divf %div3A_21, %sqrt3A : vector<400x1xf32>
    %mul3A = vector.broadcast %div3A_22 : vector<400x1xf32> to vector<400x128xf32>
    %mul3A_23 = arith.mulf %dot_general3A_5, %mul3A : vector<400x128xf32>
    %swap3A_24 = arith.constant 0 : index
    %swap3A_25 = arith.constant 0 : index
    %swap3A_26 = vector.load %arg5[%swap3A_24, %swap3A_25] : memref<400x128xf32, #tpu.memory_space<vmem>>, vector<400x128xf32>
    tpu.vector_store %arg5[%swap3A_24, %swap3A_25], %mul3A_23 {strides = array<i32>} : memref<400x128xf32, #tpu.memory_space<vmem>>, vector<400x128xf32>,
    return
  }
  func.func @transform_0(%arg0: i32) -> (i32, i32) {
    %c0_i32 = arith.constant 0 : i32
    %c0_i32_0 = arith.constant 0 : i32
    return %arg0, %c0_i32 : i32, i32
  }
  func.func @transform_1(%arg0: i32) -> (i32, i32) {
    %c0_i32 = arith.constant 0 : i32
    %c0_i32_0 = arith.constant 0 : i32
    %c0_i32_1 = arith.constant 0 : i32
    return %c0_i32, %c0_i32_0 : i32, i32
  }
  func.func @transform_2(%arg0: i32) -> (i32, i32, i32) {
    %c0_i32 = arith.constant 0 : i32
    %c0_i32_0 = arith.constant 0 : i32
    %c0_i32_1 = arith.constant 0 : i32
    return %c0_i32, %arg0, %c0_i32_0 : i32, i32, i32
  }
  func.func @transform_3(%arg0: i32) -> (i32, i32) {
    %c0_i32 = arith.constant 0 : i32
    %c0_i32_0 = arith.constant 0 : i32
    return %arg0, %c0_i32 : i32, i32
  }
  func.func @transform_4(%arg0: i32) -> (i32, i32) {
    %c0_i32 = arith.constant 0 : i32
    %c0_i32_0 = arith.constant 0 : i32
    return %arg0, %c0_i32 : i32, i32
  }
}

module attributes {stable_mosaic.version = 14 : i64} {
  func.func @_post_body(%arg0: i32, %arg1: memref<2x400x128xf32, #tpu.memory_space<vmem>>, %arg2: memref<2x400x16xf32, #tpu.memory_space<vmem>>, %arg3: memref<400x128xf32, #tpu.memory_space<vmem>>, %arg4: memref<400x128xf32, #tpu.memory_space<vmem>>) attributes {dimension_semantics = [#tpu.dimension_semantics<arbitrary>], iteration_bounds = array<i64: 25>, scalar_prefetch = 0 : i64, scratch_operands = 0 : i64, tpu.core_type = #tpu.core_type<tc>, window_params = [{transform_indices = @transform_0, window_bounds = array<i64: 2, 400, 128>}, {transform_indices = @transform_1, window_bounds = array<i64: 2, 400, 16>}, {transform_indices = @transform_2, window_bounds = array<i64: 400, 128>}, {transform_indices = @transform_3, window_bounds = array<i64: 400, 128>}]} {
    %get3A = arith.constant 0 : index
    %get3A_0 = arith.constant 0 : index
    %get3A_1 = arith.constant 0 : index
    %get3A_2 = vector.load %arg2[%get3A, %get3A_0, %get3A_1] : memref<2x400x16xf32, #tpu.memory_space<vmem>>, vector<1x400x1xf32>
    %get3A_3 = vector.shape_cast %get3A_2 : vector<1x400x1xf32> to vector<400x1xf32>
    %get3A_4 = arith.constant 1 : index
    %get3A_5 = arith.constant 0 : index
    %get3A_6 = arith.constant 0 : index
    %get3A_7 = vector.load %arg2[%get3A_4, %get3A_5, %get3A_6] : memref<2x400x16xf32, #tpu.memory_space<vmem>>, vector<1x400x1xf32>
    %get3A_8 = vector.shape_cast %get3A_7 : vector<1x400x1xf32> to vector<400x1xf32>
    %add3A = arith.addf %get3A_3, %get3A_8 : vector<400x1xf32>
    %add3A_9 = arith.constant 1.000000e+00 : f32
    %add3A_10 = vector.broadcast %add3A_9 : f32 to vector<400x1xf32>
    %add3A_11 = arith.addf %add3A, %add3A_10 : vector<400x1xf32>
    %sqrt3A = math.sqrt %add3A_11 : vector<400x1xf32>
    %div3A = arith.constant 1.000000e+00 : f32
    %div3A_12 = vector.broadcast %div3A : f32 to vector<400x1xf32>
    %div3A_13 = arith.divf %div3A_12, %sqrt3A : vector<400x1xf32>
    %get3A_14 = arith.constant 0 : index
    %get3A_15 = arith.constant 0 : index
    %get3A_16 = arith.constant 0 : index
    %get3A_17 = vector.load %arg1[%get3A_14, %get3A_15, %get3A_16] : memref<2x400x128xf32, #tpu.memory_space<vmem>>, vector<1x400x128xf32>
    %get3A_18 = vector.shape_cast %get3A_17 : vector<1x400x128xf32> to vector<400x128xf32>
    %get3A_19 = arith.constant 1 : index
    %get3A_20 = arith.constant 0 : index
    %get3A_21 = arith.constant 0 : index
    %get3A_22 = vector.load %arg1[%get3A_19, %get3A_20, %get3A_21] : memref<2x400x128xf32, #tpu.memory_space<vmem>>, vector<1x400x128xf32>
    %get3A_23 = vector.shape_cast %get3A_22 : vector<1x400x128xf32> to vector<400x128xf32>
    %add3A_24 = arith.addf %get3A_18, %get3A_23 : vector<400x128xf32>
    %mul3A = vector.broadcast %div3A_13 : vector<400x1xf32> to vector<400x128xf32>
    %mul3A_25 = arith.mulf %mul3A, %add3A_24 : vector<400x128xf32>
    %get3A_26 = arith.constant 0 : index
    %get3A_27 = arith.constant 0 : index
    %get3A_28 = vector.load %arg3[%get3A_26, %get3A_27] : memref<400x128xf32, #tpu.memory_space<vmem>>, vector<400x128xf32>
    %div3A_29 = vector.broadcast %add3A_11 : vector<400x1xf32> to vector<400x128xf32>
    %div3A_30 = arith.divf %get3A_28, %div3A_29 : vector<400x128xf32>
    %add3A_31 = arith.addf %mul3A_25, %div3A_30 : vector<400x128xf32>
    %swap3A = arith.constant 0 : index
    %swap3A_32 = arith.constant 0 : index
    %swap3A_33 = vector.load %arg4[%swap3A, %swap3A_32] : memref<400x128xf32, #tpu.memory_space<vmem>>, vector<400x128xf32>
    tpu.vector_store %arg4[%swap3A, %swap3A_32], %add3A_31 {strides = array<i32>} : memref<400x128xf32, #tpu.memory_space<vmem>>, vector<400x128xf32>,
    return
  }
  func.func @transform_0(%arg0: i32) -> (i32, i32, i32) {
    %c0_i32 = arith.constant 0 : i32
    %c0_i32_0 = arith.constant 0 : i32
    %c0_i32_1 = arith.constant 0 : i32
    return %c0_i32, %arg0, %c0_i32_0 : i32, i32, i32
  }
  func.func @transform_1(%arg0: i32) -> (i32, i32, i32) {
    %c0_i32 = arith.constant 0 : i32
    %c0_i32_0 = arith.constant 0 : i32
    %c0_i32_1 = arith.constant 0 : i32
    return %c0_i32, %arg0, %c0_i32_0 : i32, i32, i32
  }
  func.func @transform_2(%arg0: i32) -> (i32, i32) {
    %c0_i32 = arith.constant 0 : i32
    %c0_i32_0 = arith.constant 0 : i32
    return %arg0, %c0_i32 : i32, i32
  }
  func.func @transform_3(%arg0: i32) -> (i32, i32) {
    %c0_i32 = arith.constant 0 : i32
    %c0_i32_0 = arith.constant 0 : i32
    return %arg0, %c0_i32 : i32, i32
  }
}

</mosaic_0001>

<sc_bundles>
// kernel: kernel.6.cloned.1.call-start
scs
__scs_entry_jumppad:
0x0: {  	(pc) =	sbr.rel $0x88, $3  }
0x1: {  	(tag) =	ssettag $0x0;
	lr =	simm.s32 $0x1  }
0x2: {  	[smem:$0x3F9E] =	sst lr;
	_ =	strace $0xD0000000  }
0x3: {  	_ = 	snop  }
0x4: {  	_ = 	snop  }
0x5: {  	_ = 	snop  }
0x6: {  	_ = 	snop  }
0x7: {  	_ = 	snop  }
__scs_overlays_trampoline_lowered:
0x8: {  	[smem:$0x3FAD] =	sst s0  }
0x9: {  	[smem:$0x3FAE] =	sst s1  }
0xa: {  	[smem:$0x3FAF] =	sst s2  }
0xb: {  	[smem:$0x3FB0] =	sst s3  }
0xc: {  	[smem:$0x3FB1] =	sst s4  }
0xd: {  	[smem:$0x3FB2] =	sst s5  }
0xe: {  	[smem:$0x3FB3] =	sst s6  }
0xf: {  	[smem:$0x3FB4] =	sst s7  }
0x10: {  	[smem:$0x3FB5] =	sst s8  }
0x11: {  	[smem:$0x3FB6] =	sst s9;
	s0 =	simm.s32 @!p0 $0x0  }
0x12: {  	s1 =	sld [smem:$0x3F9C];
	s0 =	simm.s32 @p0 $0x1  }
0x13: {  	[smem:$0x3FB7] =	sst s0;
	s0 =	simm.s32 @!p1 $0x0  }
0x14: {  	s2 =	sld [smem:$0x3F9B];
	s0 =	simm.s32 @p1 $0x1  }
0x15: {  	[smem:$0x3FB8] =	sst s0;
	s0 =	simm.s32 @!p2 $0x0  }
0x16: {  	s3 =	sld [smem:$0x3FDB];
	s0 =	simm.s32 @p2 $0x1  }
0x17: {  	s4 =	simm.s32 $0x1BF5;
	[smem:$0x3FBA] =	sst s0  }
0x18: {  	s0 =	sld [smem:$0x3F9D];
	_ =	swait.ge [sflag:s4], $0x0  }
0x19: {  	s7 =	sld [smem:$0x3F9E]  }
0x1a: {  	s8 =	sadd.s32 $0xFFFFE003, lr  }
0x1b: {  	s9 =	sadd.s32 $0xFFFFFEF7, lr;
	s5 =	simm.s32 $0xFFFFFFFF;
	p2 =	slt.u32 s8, $0xFFFFF086  }
0x1c: {  	p1 =	slt.u32 s9, $0xF7A;
	s5 =	simm.s32 @!p2 $0x0  }
0x1d: {  	s5 =	simm.s32 @p1 $0x1;
	p0 =	seq.s32 s7, s2  }
0x1e: {  	s7 =	smul.u32 @!p0 $0xF7A, s2;
	p2 =	seq.s32 @!p0 s5, $0x0  }
0x1f: {  	s9 =	smul.u32 $0xF7A, s1;
	s8 =	simm.s32 @!p0 $0x1BF5;
	p2 =	por !p2, p0  }
0x20: {  	[sflag:s8] =	ssyncset.s32 @!p0 $0xFFFFF086;
	s6 =	sadd.s32 @!p0 s3, s7;
	s7 =	simm.s32 @!p0 $0x108  }
0x21: {  	s3 =	sadd.s32 s3, s9;
	s6 =	sadd.s32 @!p0 $0x88, s6;
	s7 =	simm.s32 @p2 $0x1082  }
0x22: {  	[simem:s7], [sflag:s8] =	dma.local @!p0 [hbm:s6], $0xF7A  }
0x23: {  	s9 =	sor.u32 $0xD0000000, s2;
	s6 =	simm.s32 $0x108;
	_ =	swait.ge @!p0 [sflag:s8], $0x0  }
0x24: {  	s3 =	sadd.s32 $0x88, s3;
	s6 =	simm.s32 @!p1 $0x1082;
	[sflag:s4] =	ssyncset.s32 $0xFFFFF086  }
0x25: {  	[simem:s6], [sflag:s4] =	dma.local [hbm:s3], $0xF7A  }
0x26: {  	[smem:$0x3F9E] =	sst s1;
	(tag) =	ssettag s2;
	_ =	strace s9  }
0x27: {  	s1 =	sld [smem:$0x3FAE]  }
0x28: {  	s2 =	sld [smem:$0x3FAF]  }
0x29: {  	s4 =	sld [smem:$0x3FB1]  }
0x2a: {  	p0 =	seq.s32 s5, $0x0;
	s5 =	sld [smem:$0x3FB2]  }
0x2b: {  	s6 =	sld [smem:$0x3FB3]  }
0x2c: {  	s7 =	sld [smem:$0x3FB4]  }
0x2d: {  	s3 =	simm.s32 $0x108;
	s8 =	sld [smem:$0x3FB5]  }
0x2e: {  	s3 =	simm.s32 @!p0 $0x1082;
	s9 =	sld [smem:$0x3FB6]  }
0x2f: {  	lr =	sadd.s32 s0, s3;
	s0 =	sld [smem:$0x3FAD]  }
0x30: {  	s3 =	sld [smem:$0x3FB0]  }
0x31: {  	[smem:$0x3FB9] =	sst s10  }
0x32: {  	s10 =	sld [smem:$0x3FB7];
	_ =	sdelay $0x3  }
0x33: {  	p0 =	seq.s32 s10, $0x1;
	s10 =	sld [smem:$0x3FB9];
	_ =	sdelay $0x3  }
0x34: {  	[smem:$0x3FB9] =	sst s10  }
0x35: {  	s10 =	sld [smem:$0x3FB8];
	_ =	sdelay $0x3  }
0x36: {  	p1 =	seq.s32 s10, $0x1;
	s10 =	sld [smem:$0x3FB9];
	_ =	sdelay $0x3  }
0x37: {  	[smem:$0x3FB9] =	sst s10  }
0x38: {  	s10 =	sld [smem:$0x3FBA]  }
0x39: {  	_ = 	snop;
	(pc) =	sbr.ind lr, $3  }
0x3a: {  	_ = 	snop  }
0x3b: {  	_ = 	snop  }
0x3c: {  	p2 =	seq.s32 s10, $0x1;
	s10 =	sld [smem:$0x3FB9]  }
0x3d: {  	_ =	shalt  }
0x3e: {  	_ =	shalt  }
0x3f: {  	_ =	shalt  }
0x40: {  	_ =	shalt  }
0x41: {  	_ =	shalt  }
0x42: {  	_ =	shalt  }
0x43: {  	_ =	shalt  }
0x44: {  	_ =	shalt  }
0x45: {  	_ =	shalt  }
0x46: {  	_ =	shalt  }
0x47: {  	_ =	shalt  }
0x48: {  	_ =	shalt  }
0x49: {  	_ =	shalt  }
0x4a: {  	_ =	shalt  }
0x4b: {  	_ =	shalt  }
0x4c: {  	_ =	shalt  }
0x4d: {  	_ =	shalt  }
0x4e: {  	_ =	shalt  }
0x4f: {  	_ =	shalt  }
0x50: {  	_ =	shalt  }
0x51: {  	_ =	shalt  }
0x52: {  	_ =	shalt  }
0x53: {  	_ =	shalt  }
0x54: {  	_ =	shalt  }
0x55: {  	_ =	shalt  }
0x56: {  	_ =	shalt  }
0x57: {  	_ =	shalt  }
0x58: {  	_ =	shalt  }
0x59: {  	_ =	shalt  }
0x5a: {  	_ =	shalt  }
0x5b: {  	_ =	shalt  }
0x5c: {  	_ =	shalt  }
0x5d: {  	_ =	shalt  }
0x5e: {  	_ =	shalt  }
0x5f: {  	_ =	shalt  }
0x60: {  	_ =	shalt  }
0x61: {  	_ =	shalt  }
0x62: {  	_ =	shalt  }
0x63: {  	_ =	shalt  }
0x64: {  	_ =	shalt  }
0x65: {  	_ =	shalt  }
0x66: {  	_ =	shalt  }
0x67: {  	_ =	shalt  }
0x68: {  	_ =	shalt  }
0x69: {  	_ =	shalt  }
0x6a: {  	_ =	shalt  }
0x6b: {  	_ =	shalt  }
0x6c: {  	_ =	shalt  }
0x6d: {  	_ =	shalt  }
0x6e: {  	_ =	shalt  }
0x6f: {  	_ =	shalt  }
0x70: {  	_ =	shalt  }
0x71: {  	_ =	shalt  }
0x72: {  	_ =	shalt  }
0x73: {  	_ =	shalt  }
0x74: {  	_ =	shalt  }
0x75: {  	_ =	shalt  }
0x76: {  	_ =	shalt  }
0x77: {  	_ =	shalt  }
0x78: {  	_ =	shalt  }
0x79: {  	_ =	shalt  }
0x7a: {  	_ =	shalt  }
0x7b: {  	_ =	shalt  }
0x7c: {  	_ =	shalt  }
0x7d: {  	_ =	shalt  }
0x7e: {  	_ =	shalt  }
0x7f: {  	_ =	shalt  }
0x80: {  	_ =	shalt  }
0x81: {  	_ =	shalt  }
0x82: {  	_ =	shalt  }
0x83: {  	_ =	shalt  }
0x84: {  	_ =	shalt  }
0x85: {  	_ =	shalt  }
0x86: {  	_ =	shalt  }
0x87: {  	_ =	shalt  }
.Lfunc_end0:
.L_simem_size_0:
called_computation_lowered:
.L_overlay_start_0:
0x88: {  	s2 =	sld [smem:$0x3FD9]  }
0x89: {  	s3 =	sld [smem:$0x3FFE];
	_ =	sdelay $0x1  }
0x8a: {  	s1 =	srdreg.scid  }
0x8b: {  	s0 =	sand.u32 $0x1, s1  }
0x8c: {  	s17 =	sshll.u32 s0, $0xA;
	s2 =	sadd.s32 s3, s2  }
0x8d: {  	s2 =	sadd.s32 s2, s17  }
0x8e: {  	[smem:$0x3FC5] =	sst s2  }
0x8f: {  	_ = 	snop  }
0x90: {  	s2 =	sld [smem:$0x3FD0];
	(tm) =	ssettm $0x1  }
0x91: {  	s18 =	sld [smem:$0x3FFB];
	_ =	sdelay $0x3  }
0x92: {  	_ =	strace s18  }
0x93: {  	s3 =	sld [smem:$0x3FFC];
	_ =	sdelay $0x3  }
0x94: {  	_ =	strace s3  }
0x95: {  	s3 =	sld [smem:$0x3FFD];
	_ =	sdelay $0x3  }
0x96: {  	_ =	strace s3  }
0x97: {  	_ =	strace $0x8FFFFFFF  }
0x98: {  	s19 =	sld [smem:$0x3FDB];
	_ =	sdelay $0x1  }
0x99: {  	s4 =	simm.s32 $_scs_section_size  }
0x9a: {  	s5 =	simm.s32 $_size__tile_overlayer_lowered;
	s6 =	simm.s32 $_tile_overlayer_lowered  }
0x9b: {  	s22 =	simm.s32 $0x1BFF;
	s21 =	sshll.u32 s6, $0x1;
	s3 =	sadd.s32 s4, s19  }
0x9c: {  	s7 =	simm.s32 $0x0;
	s20 =	sshll.u32 s5, $0x1;
	s5 =	sadd.s32 s21, s3  }
0x9d: {  	[timem:s7], [sflag:s22] =	dma.local [hbm:s5], s20  }
0x9e: {  	_ =	swait.ge [sflag:s22], s20  }
0x9f: {  	s4 =	ssub.s32 $0x0, s20;
	[sflag:s22] =	ssyncset.done $0x0  }
0xa0: {  	[sflag:s22] =	ssyncadd.s32 s4;
	_ =	sdelay $0x1  }
0xa1: {  	s23 =	simm.s32 $0x1B8B  }
0xa2: {  	_ =	swait.ge [sflag:s23], $0x1  }
0xa3: {  	[sflag:s23] =	ssyncset.done $0x0  }
0xa4: {  	s25 =	simm.s32 $0x1B8E;
	s24 =	sld [smem:$0x3FFE];
	[sflag:s23] =	ssyncadd.s32 $0xFFFFFFFF  }
0xa5: {  	s26 =	simm.s32 $execute0_lowered;
	[smem:$0x3FD2] =	sst s25  }
0xa6: {  	s5 =	sshll.u32 s26, $0x1;
	_ =	strace $0x80000046;
	[dreg:$0x1] =	wrdreg $0xFFFFFFFF  }
0xa7: {  	s28 =	simm.s32 $_size_execute0_lowered;
	s3 =	sadd.s32 s3, s5;
	[dreg:$0x0] =	wrdreg $0x0  }
0xa8: {  	s5 =	sshll.u32 s28, $0x1;
	[dreg:$0x2] =	wrdreg s3  }
0xa9: {  	[dreg:$0x3] =	wrdreg s5  }
0xaa: {  	[dreg:$0x4] =	wrdreg $0xC0  }
0xab: {  	_ =	task [dreg:s7], $0x5FFFF  }
0xac: {  	[dreg:$0x1] =	wrdreg $0xFFFFFFFF  }
0xad: {  	[dreg:$0x0] =	wrdreg $0x60  }
0xae: {  	[dreg:$0x2] =	wrdreg s24  }
0xaf: {  	[dreg:$0x3] =	wrdreg s2  }
0xb0: {  	[dreg:$0x4] =	wrdreg $0x68000  }
0xb1: {  	[dreg:$0x5] =	wrdreg $0x9  }
0xb2: {  	_ =	task.clear_ibuf [dreg:s7], $0x6FFFF;
	_ =	strace $0x90000046  }
0xb3: {  	s29 =	simm.s32 $0x9;
	_ =	strace $0x80000048  }
0xb4: {  	_ =	swait.ge [sflag:s29], $0x1  }
0xb5: {  	[sflag:s29] =	ssyncadd.s32 $0xFFFFFFFF  }
0xb6: {  	_ =	strace $0x90000048  }
0xb7: {  	_ =	sfence  }
0xb8: {  	s30 =	sld [smem:$0x0];
	_ =	sdelay $0x2  }
0xb9: {  	s31 =	sshll.u32 s1, $0xD;
	s1 =	sshrl.u32 s1, $0x2  }
0xba: {  	s3 =	sand.u32 $0x4000, s31;
	s1 =	sadd.s32 s1, s30  }
0xbb: {  	s0 =	sor.u32 s3, s0;
	s1 =	sshll.u32 s1, $0x11  }
0xbc: {  	s0 =	sor.u32 s1, s0  }
0xbd: {  	s0 =	sadd.s32 $0x8F2B, s0  }
0xbe: {  	[sflag:s0] =	ssyncadd.remote.s32 $0x1  }
0xbf: {  	_ =	sfence.sel $0xFFFF  }
0xc0: {  	[dreg:$0x0] =	wrdreg $0xFFFFFFFF;
	(pc) =	sbr.abs _section_cstart, $3  }
0xc1: {  	[dreg:$0x1] =	wrdreg $0xFFFFFFFF  }
0xc2: {  	_ =	task.clear_ibuf [dreg:s7], $0x2FFFF;
	_ =	strace $0x9FFFFFFF  }
0xc3: {  	(tm) =	ssettm $0x7FFFFFFF  }
tec
execute0_lowered:
.L_overlay_start_1:
0x0: {  	(tag) =	ssettag $0x1  }
0x1: {  	s5 =	rddreg [dreg:$0x0]  }
0x2: {  	s2 =	rddreg [dreg:$0x1]  }
0x3: {  	s3 =	rddreg [dreg:$0x2]  }
0x4: {  	s0 =	rddreg [dreg:$0x3];
	s1 =	stileid.u32  }
0x5: {  	s6 =	srdreg.scid;
	s4 =	simm.s32 $0x0;
	s13 =	simm.s32 $0x50  }
0x6: {  	s14 =	simm.s32 $0x0;
	s7 =	smul.u32 $0x14000, s1;
	s6 =	sand.u32 $0x1, s6  }
0x7: {  	[smem:$0x7FF] =	sst s4;
	s9 =	sshll.u32 s1, $0xB;
	s11 =	smul.u32 $0x50000, s1  }
0x8: {  	s31 =	sshll.u32 s1, $0x6;
	s8 =	smul.u32 $0x140000, s6;
	_ =	strace $0x80000047  }
0x9: {  	s9 =	sadd.s32 s9, s5;
	s26 =	ssub.s32 $0x2, s6;
	s6 =	sshll.u32 s6, $0xF  }
0xa: {  	s10 =	sshrl.u32 s7, $0x3;
	s28 =	sshrl.u32 s26, $0x1;
	s29 =	sadd.s32 s6, s9  }
0xb: {  	s30 =	sshrl.u32 s11, $0x2;
	s9 =	simm.s32 $0x1;
	s11 =	sor.u32 $0x1C01, s31  }
0xc: {  	s10 =	sadd.s32 s10, s5;
	s7 =	sadd.s32 s7, s8;
	s8 =	ssub.s32 s26, s28  }
0xd: {  	s12 =	sadd.s32 s30, s3;
	s7 =	sshrl.u32 s7, $0x3;
	s6 =	sadd.s32 $0x1AE00, s10  }
0xe: {  	s8 =	smax.u32 s8, $0x1;
	s10 =	simm.s32 $0x4000;
	s7 =	sadd.s32 s7, s5  }
0xf: {  	s12 =	sshrl.u32 s12, $0x3;
	s5 =	sadd.s32 $0xAE00, s29;
	s7 =	sadd.s32 $0x42E00, s7  }
.LBB2_1:
0x10: {  	[tilespmem:s4], [sflag:$0x1] =	stream.linear.gather [hbm4b:s5+s4], $0x3E80, $0x38;
	[tilespmem:$0x9000] =	vst v63  }
0x11: {  	_ =	swait.ge [sflag:s9], $0x3E80  }
0x12: {  	[sflag:s9] =	ssyncset.done $0x0  }
0x13: {  	[sflag:s9] =	ssyncadd.s32 $0xFFFFC180  }
0x14: {  	[tilespmem:s10], [sflag:$0x1] =	stream.linear.gather [hbm4b:s2+s4], $0x2800, $0x38;
	[tilespmem:$0x9000] =	vst v63  }
0x15: {  	_ =	swait.ge [sflag:s9], $0x2800  }
0x16: {  	[sflag:s9] =	ssyncset.done $0x0  }
0x17: {  	[sflag:s9] =	ssyncadd.s32 $0xFFFFD800  }
0x18: {  	[spmem:s12], [sflag:s11] =	dma.local [hbm:s6], $0x2800  }
0x19: {  	_ =	swait.ge [sflag:s9], $0x2800  }
0x1a: {  	[sflag:s9] =	ssyncset.done $0x0  }
0x1b: {  	[sflag:s9] =	ssyncadd.s32 $0xFFFFD800  }
0x1c: {  	s15 =	simm.s32 $0x0;
	[bflag:$0x0] =	sbarrier.arrive $0xFFFF  }
0x1d: {  	[spmem:s3] =	stream.indirect.scatter.add.f32 [tilespmem:s10], [sflag:$0x1], $0x10, s15, s13, $0xb8;
	[tilespmem:$0x9000] =	vst v63  }
0x1e: {  	_ =	swait.ge [sflag:s9], $0x500  }
0x1f: {  	s15 =	simm.s32 $0x200;
	[sflag:s9] =	ssyncset.done $0x0  }
.LBB2_2:
0x20: {  	s16 =	sshra.s32 s15, $0x2;
	[sflag:s9] =	ssyncadd.s32 $0xFFFFFB00;
	p0 =	sne.s32 s15, $0xF800  }
0x21: {  	[spmem:s3] =	stream.indirect.scatter.add.f32 [tilespmem:s10], [sflag:$0x1], $0x10, s16, s13, $0xb8;
	[tilespmem:$0x9000] =	vst v63  }
.Ltmp0:
0x22: {  	_ = 	snop;
	(pc) =	sbr.rel @p0 .LBB2_2-.Ltmp0, $4  }
0x23: {  	_ = 	snop  }
0x24: {  	s15 =	sadd.s32 $0x200, s15  }
0x25: {  	_ =	swait.ge [sflag:s9], $0x500  }
0x26: {  	[sflag:s9] =	ssyncset.done $0x0  }
0x27: {  	s14 =	sadd.s32 $0x1, s14  }
0x28: {  	[sflag:s9] =	ssyncadd.s32 $0xFFFFFB00;
	p0 =	sne.s32 s14, s8  }
.Ltmp1:
0x29: {  	[bflag:$0x0] =	sbarrier.arrive $0xFFFF;
	(pc) =	sbr.rel @p0 .LBB2_1-.Ltmp1, $4  }
0x2a: {  	[hbm:s7], [sflag:s11] =	dma.local [spmem:s12], $0x2800  }
0x2b: {  	_ =	swait.ge [sflag:s9], $0x2800  }
0x2c: {  	[sflag:s9] =	ssyncset.done $0x0  }
0x2d: {  	[sflag:s9] =	ssyncadd.s32 $0xFFFFD800  }
0x2e: {  	_ =	sfence.sel $0x180000  }
0x2f: {  	[bflag:$0x0] =	sbarrier.arrive $0xFFFF  }
0x30: {  	p0 =	sne.s32 s1, $0x0;
	_ =	strace $0x90000047  }
0x31: {  	s0 =	sadd.s32 @!p0 $0x100000, s0;
	[bflag:$0x2] =	sbarrier.arrive $0xFFFF  }
0x32: {  	[sflag:s0] =	ssyncadd.tile.s32 @!p0 $0x1;
	_ =	shalt  }
.Lfunc_end2:
_tile_overlayer_lowered:
.L_overlay_start_2:
0x33: {  	(tag) =	ssettag $0x2  }
0x34: {  	s0 =	rddreg [dreg:$0x0];
	s2 =	stileid.u32  }
0x35: {  	s1 =	rddreg [dreg:$0x1];
	p0 =	sne.s32 s2, $0x0  }
0x36: {  	s3 =	rddreg [dreg:$0x2];
	[bflag:$0x3] =	sbarrier.arrive $0xFFFF;
	s2 =	simm.s32 @!p0 $0x1C01  }
0x37: {  	[timem:s3], [sflag:s2] =	dma.local @!p0 [hbm:s0], s1  }
0x38: {  	s0 =	simm.s32 @!p0 $0x1  }
0x39: {  	_ =	swait.ge @!p0 [sflag:s0], s1  }
0x3a: {  	s1 =	ssub.s32 @!p0 $0x0, s1;
	[sflag:s0] =	ssyncset.done @!p0 $0x0  }
0x3b: {  	[sflag:s0] =	ssyncadd.s32 @!p0 s1  }
0x3c: {  	[bflag:$0x3] =	sbarrier.arrive $0xFFFF  }
0x3d: {  	_ =	shalt  }

// kernel: kernel.9.cloned.1.call-start
scs
__scs_entry_jumppad:
0x0: {  	(pc) =	sbr.rel $0x88, $3  }
0x1: {  	(tag) =	ssettag $0x0;
	lr =	simm.s32 $0x1  }
0x2: {  	[smem:$0x3F9E] =	sst lr;
	_ =	strace $0xD0000000  }
0x3: {  	_ = 	snop  }
0x4: {  	_ = 	snop  }
0x5: {  	_ = 	snop  }
0x6: {  	_ = 	snop  }
0x7: {  	_ = 	snop  }
__scs_overlays_trampoline_lowered:
0x8: {  	[smem:$0x3FAD] =	sst s0  }
0x9: {  	[smem:$0x3FAE] =	sst s1  }
0xa: {  	[smem:$0x3FAF] =	sst s2  }
0xb: {  	[smem:$0x3FB0] =	sst s3  }
0xc: {  	[smem:$0x3FB1] =	sst s4  }
0xd: {  	[smem:$0x3FB2] =	sst s5  }
0xe: {  	[smem:$0x3FB3] =	sst s6  }
0xf: {  	[smem:$0x3FB4] =	sst s7  }
0x10: {  	[smem:$0x3FB5] =	sst s8  }
0x11: {  	[smem:$0x3FB6] =	sst s9;
	s0 =	simm.s32 @!p0 $0x0  }
0x12: {  	s1 =	sld [smem:$0x3F9C];
	s0 =	simm.s32 @p0 $0x1  }
0x13: {  	[smem:$0x3FB7] =	sst s0;
	s0 =	simm.s32 @!p1 $0x0  }
0x14: {  	s2 =	sld [smem:$0x3F9B];
	s0 =	simm.s32 @p1 $0x1  }
0x15: {  	[smem:$0x3FB8] =	sst s0;
	s0 =	simm.s32 @!p2 $0x0  }
0x16: {  	s3 =	sld [smem:$0x3FDB];
	s0 =	simm.s32 @p2 $0x1  }
0x17: {  	s4 =	simm.s32 $0x1BF5;
	[smem:$0x3FBA] =	sst s0  }
0x18: {  	s0 =	sld [smem:$0x3F9D];
	_ =	swait.ge [sflag:s4], $0x0  }
0x19: {  	s7 =	sld [smem:$0x3F9E]  }
0x1a: {  	s8 =	sadd.s32 $0xFFFFE003, lr  }
0x1b: {  	s9 =	sadd.s32 $0xFFFFFEF7, lr;
	s5 =	simm.s32 $0xFFFFFFFF;
	p2 =	slt.u32 s8, $0xFFFFF086  }
0x1c: {  	p1 =	slt.u32 s9, $0xF7A;
	s5 =	simm.s32 @!p2 $0x0  }
0x1d: {  	s5 =	simm.s32 @p1 $0x1;
	p0 =	seq.s32 s7, s2  }
0x1e: {  	s7 =	smul.u32 @!p0 $0xF7A, s2;
	p2 =	seq.s32 @!p0 s5, $0x0  }
0x1f: {  	s9 =	smul.u32 $0xF7A, s1;
	s8 =	simm.s32 @!p0 $0x1BF5;
	p2 =	por !p2, p0  }
0x20: {  	[sflag:s8] =	ssyncset.s32 @!p0 $0xFFFFF086;
	s6 =	sadd.s32 @!p0 s3, s7;
	s7 =	simm.s32 @!p0 $0x108  }
0x21: {  	s3 =	sadd.s32 s3, s9;
	s6 =	sadd.s32 @!p0 $0x88, s6;
	s7 =	simm.s32 @p2 $0x1082  }
0x22: {  	[simem:s7], [sflag:s8] =	dma.local @!p0 [hbm:s6], $0xF7A  }
0x23: {  	s9 =	sor.u32 $0xD0000000, s2;
	s6 =	simm.s32 $0x108;
	_ =	swait.ge @!p0 [sflag:s8], $0x0  }
0x24: {  	s3 =	sadd.s32 $0x88, s3;
	s6 =	simm.s32 @!p1 $0x1082;
	[sflag:s4] =	ssyncset.s32 $0xFFFFF086  }
0x25: {  	[simem:s6], [sflag:s4] =	dma.local [hbm:s3], $0xF7A  }
0x26: {  	[smem:$0x3F9E] =	sst s1;
	(tag) =	ssettag s2;
	_ =	strace s9  }
0x27: {  	s1 =	sld [smem:$0x3FAE]  }
0x28: {  	s2 =	sld [smem:$0x3FAF]  }
0x29: {  	s4 =	sld [smem:$0x3FB1]  }
0x2a: {  	p0 =	seq.s32 s5, $0x0;
	s5 =	sld [smem:$0x3FB2]  }
0x2b: {  	s6 =	sld [smem:$0x3FB3]  }
0x2c: {  	s7 =	sld [smem:$0x3FB4]  }
0x2d: {  	s3 =	simm.s32 $0x108;
	s8 =	sld [smem:$0x3FB5]  }
0x2e: {  	s3 =	simm.s32 @!p0 $0x1082;
	s9 =	sld [smem:$0x3FB6]  }
0x2f: {  	lr =	sadd.s32 s0, s3;
	s0 =	sld [smem:$0x3FAD]  }
0x30: {  	s3 =	sld [smem:$0x3FB0]  }
0x31: {  	[smem:$0x3FB9] =	sst s10  }
0x32: {  	s10 =	sld [smem:$0x3FB7];
	_ =	sdelay $0x3  }
0x33: {  	p0 =	seq.s32 s10, $0x1;
	s10 =	sld [smem:$0x3FB9];
	_ =	sdelay $0x3  }
0x34: {  	[smem:$0x3FB9] =	sst s10  }
0x35: {  	s10 =	sld [smem:$0x3FB8];
	_ =	sdelay $0x3  }
0x36: {  	p1 =	seq.s32 s10, $0x1;
	s10 =	sld [smem:$0x3FB9];
	_ =	sdelay $0x3  }
0x37: {  	[smem:$0x3FB9] =	sst s10  }
0x38: {  	s10 =	sld [smem:$0x3FBA]  }
0x39: {  	_ = 	snop;
	(pc) =	sbr.ind lr, $3  }
0x3a: {  	_ = 	snop  }
0x3b: {  	_ = 	snop  }
0x3c: {  	p2 =	seq.s32 s10, $0x1;
	s10 =	sld [smem:$0x3FB9]  }
0x3d: {  	_ =	shalt  }
0x3e: {  	_ =	shalt  }
0x3f: {  	_ =	shalt  }
0x40: {  	_ =	shalt  }
0x41: {  	_ =	shalt  }
0x42: {  	_ =	shalt  }
0x43: {  	_ =	shalt  }
0x44: {  	_ =	shalt  }
0x45: {  	_ =	shalt  }
0x46: {  	_ =	shalt  }
0x47: {  	_ =	shalt  }
0x48: {  	_ =	shalt  }
0x49: {  	_ =	shalt  }
0x4a: {  	_ =	shalt  }
0x4b: {  	_ =	shalt  }
0x4c: {  	_ =	shalt  }
0x4d: {  	_ =	shalt  }
0x4e: {  	_ =	shalt  }
0x4f: {  	_ =	shalt  }
0x50: {  	_ =	shalt  }
0x51: {  	_ =	shalt  }
0x52: {  	_ =	shalt  }
0x53: {  	_ =	shalt  }
0x54: {  	_ =	shalt  }
0x55: {  	_ =	shalt  }
0x56: {  	_ =	shalt  }
0x57: {  	_ =	shalt  }
0x58: {  	_ =	shalt  }
0x59: {  	_ =	shalt  }
0x5a: {  	_ =	shalt  }
0x5b: {  	_ =	shalt  }
0x5c: {  	_ =	shalt  }
0x5d: {  	_ =	shalt  }
0x5e: {  	_ =	shalt  }
0x5f: {  	_ =	shalt  }
0x60: {  	_ =	shalt  }
0x61: {  	_ =	shalt  }
0x62: {  	_ =	shalt  }
0x63: {  	_ =	shalt  }
0x64: {  	_ =	shalt  }
0x65: {  	_ =	shalt  }
0x66: {  	_ =	shalt  }
0x67: {  	_ =	shalt  }
0x68: {  	_ =	shalt  }
0x69: {  	_ =	shalt  }
0x6a: {  	_ =	shalt  }
0x6b: {  	_ =	shalt  }
0x6c: {  	_ =	shalt  }
0x6d: {  	_ =	shalt  }
0x6e: {  	_ =	shalt  }
0x6f: {  	_ =	shalt  }
0x70: {  	_ =	shalt  }
0x71: {  	_ =	shalt  }
0x72: {  	_ =	shalt  }
0x73: {  	_ =	shalt  }
0x74: {  	_ =	shalt  }
0x75: {  	_ =	shalt  }
0x76: {  	_ =	shalt  }
0x77: {  	_ =	shalt  }
0x78: {  	_ =	shalt  }
0x79: {  	_ =	shalt  }
0x7a: {  	_ =	shalt  }
0x7b: {  	_ =	shalt  }
0x7c: {  	_ =	shalt  }
0x7d: {  	_ =	shalt  }
0x7e: {  	_ =	shalt  }
0x7f: {  	_ =	shalt  }
0x80: {  	_ =	shalt  }
0x81: {  	_ =	shalt  }
0x82: {  	_ =	shalt  }
0x83: {  	_ =	shalt  }
0x84: {  	_ =	shalt  }
0x85: {  	_ =	shalt  }
0x86: {  	_ =	shalt  }
0x87: {  	_ =	shalt  }
.Lfunc_end0:
.L_simem_size_0:
called_computation.1_lowered:
.L_overlay_start_0:
0x88: {  	s2 =	sld [smem:$0x3FD9]  }
0x89: {  	s3 =	sld [smem:$0x3FFE];
	_ =	sdelay $0x1  }
0x8a: {  	s1 =	srdreg.scid  }
0x8b: {  	s0 =	sand.u32 $0x1, s1  }
0x8c: {  	s17 =	sshll.u32 s0, $0xA;
	s2 =	sadd.s32 s3, s2  }
0x8d: {  	s2 =	sadd.s32 s2, s17  }
0x8e: {  	[smem:$0x3FC5] =	sst s2  }
0x8f: {  	_ = 	snop  }
0x90: {  	s2 =	sld [smem:$0x3FD0];
	(tm) =	ssettm $0x1  }
0x91: {  	s18 =	sld [smem:$0x3FFB];
	_ =	sdelay $0x3  }
0x92: {  	_ =	strace s18  }
0x93: {  	s3 =	sld [smem:$0x3FFC];
	_ =	sdelay $0x3  }
0x94: {  	_ =	strace s3  }
0x95: {  	s3 =	sld [smem:$0x3FFD];
	_ =	sdelay $0x3  }
0x96: {  	_ =	strace s3  }
0x97: {  	_ =	strace $0x8FFFFFFF  }
0x98: {  	s19 =	sld [smem:$0x3FDB];
	_ =	sdelay $0x1  }
0x99: {  	s4 =	simm.s32 $_scs_section_size  }
0x9a: {  	s5 =	simm.s32 $_size__tile_overlayer_lowered;
	s6 =	simm.s32 $_tile_overlayer_lowered  }
0x9b: {  	s22 =	simm.s32 $0x1BFF;
	s21 =	sshll.u32 s6, $0x1;
	s3 =	sadd.s32 s4, s19  }
0x9c: {  	s7 =	simm.s32 $0x0;
	s20 =	sshll.u32 s5, $0x1;
	s5 =	sadd.s32 s21, s3  }
0x9d: {  	[timem:s7], [sflag:s22] =	dma.local [hbm:s5], s20  }
0x9e: {  	_ =	swait.ge [sflag:s22], s20  }
0x9f: {  	s4 =	ssub.s32 $0x0, s20;
	[sflag:s22] =	ssyncset.done $0x0  }
0xa0: {  	[sflag:s22] =	ssyncadd.s32 s4;
	_ =	sdelay $0x1  }
0xa1: {  	s23 =	simm.s32 $0x1B8B  }
0xa2: {  	_ =	swait.ge [sflag:s23], $0x1  }
0xa3: {  	[sflag:s23] =	ssyncset.done $0x0  }
0xa4: {  	s25 =	simm.s32 $0x1B8E;
	s24 =	sld [smem:$0x3FFE];
	[sflag:s23] =	ssyncadd.s32 $0xFFFFFFFF  }
0xa5: {  	s26 =	simm.s32 $execute0_lowered;
	[smem:$0x3FD2] =	sst s25  }
0xa6: {  	s5 =	sshll.u32 s26, $0x1;
	_ =	strace $0x80000049;
	[dreg:$0x1] =	wrdreg $0xFFFFFFFF  }
0xa7: {  	s28 =	simm.s32 $_size_execute0_lowered;
	s3 =	sadd.s32 s3, s5;
	[dreg:$0x0] =	wrdreg $0x0  }
0xa8: {  	s5 =	sshll.u32 s28, $0x1;
	[dreg:$0x2] =	wrdreg s3  }
0xa9: {  	[dreg:$0x3] =	wrdreg s5  }
0xaa: {  	[dreg:$0x4] =	wrdreg $0xC0  }
0xab: {  	_ =	task [dreg:s7], $0x5FFFF  }
0xac: {  	[dreg:$0x1] =	wrdreg $0xFFFFFFFF  }
0xad: {  	[dreg:$0x0] =	wrdreg $0x60  }
0xae: {  	[dreg:$0x2] =	wrdreg s2  }
0xaf: {  	[dreg:$0x3] =	wrdreg s24  }
0xb0: {  	[dreg:$0x4] =	wrdreg $0xB7800  }
0xb1: {  	[dreg:$0x5] =	wrdreg $0x9  }
0xb2: {  	_ =	task.clear_ibuf [dreg:s7], $0x6FFFF;
	_ =	strace $0x90000049  }
0xb3: {  	s29 =	simm.s32 $0x9;
	_ =	strace $0x8000004B  }
0xb4: {  	_ =	swait.ge [sflag:s29], $0x1  }
0xb5: {  	[sflag:s29] =	ssyncadd.s32 $0xFFFFFFFF  }
0xb6: {  	_ =	strace $0x9000004B  }
0xb7: {  	_ =	sfence  }
0xb8: {  	s30 =	sld [smem:$0x0];
	_ =	sdelay $0x2  }
0xb9: {  	s31 =	sshll.u32 s1, $0xD;
	s1 =	sshrl.u32 s1, $0x2  }
0xba: {  	s3 =	sand.u32 $0x4000, s31;
	s1 =	sadd.s32 s1, s30  }
0xbb: {  	s0 =	sor.u32 s3, s0;
	s1 =	sshll.u32 s1, $0x11  }
0xbc: {  	s0 =	sor.u32 s1, s0  }
0xbd: {  	s0 =	sadd.s32 $0x8F2B, s0  }
0xbe: {  	[sflag:s0] =	ssyncadd.remote.s32 $0x1  }
0xbf: {  	_ =	sfence.sel $0xFFFF  }
0xc0: {  	[dreg:$0x0] =	wrdreg $0xFFFFFFFF;
	(pc) =	sbr.abs _section_cstart, $3  }
0xc1: {  	[dreg:$0x1] =	wrdreg $0xFFFFFFFF  }
0xc2: {  	_ =	task.clear_ibuf [dreg:s7], $0x2FFFF;
	_ =	strace $0x9FFFFFFF  }
0xc3: {  	(tm) =	ssettm $0x7FFFFFFF  }
tec
execute0_lowered:
.L_overlay_start_1:
0x0: {  	(tag) =	ssettag $0x1  }
0x1: {  	s1 =	rddreg [dreg:$0x0]  }
0x2: {  	s6 =	rddreg [dreg:$0x1]  }
0x3: {  	s0 =	srdreg.scid;
	s3 =	rddreg [dreg:$0x2]  }
0x4: {  	s4 =	simm.s32 $0x0;
	s14 =	simm.s32 $0x50;
	s15 =	simm.s32 $0x6780  }
0x5: {  	s16 =	simm.s32 $0x8F80;
	s17 =	simm.s32 $0x1;
	s18 =	simm.s32 $0x2  }
0x6: {  	s19 =	simm.s32 $0x3E00;
	s5 =	sand.u32 $0x1, s0;
	s0 =	stileid.u32  }
0x7: {  	s20 =	simm.s32 $0x0;
	[smem:$0x7FF] =	sst s4;
	s9 =	smul.u32 $0x14000, s0  }
0x8: {  	s2 =	sshll.u32 s5, $0x4;
	s10 =	smul.u32 $0x140000, s5;
	s5 =	ssub.s32 $0x2, s5  }
0x9: {  	s30 =	smul.u32 $0x50000, s0;
	s31 =	sshll.u32 s0, $0x6;
	s7 =	sor.u32 s0, s2  }
0xa: {  	s2 =	rddreg [dreg:$0x3];
	_ =	strace $0x8000004A;
	s12 =	sshrl.u32 s5, $0x1  }
0xb: {  	s8 =	smul.u32 $0x4E2, s7;
	s7 =	sshll.u32 s7, $0xB;
	s11 =	sshrl.u32 s9, $0x3  }
0xc: {  	s9 =	sadd.s32 s9, s10;
	s12 =	ssub.s32 s5, s12;
	s10 =	sshrl.u32 s30, $0x2  }
0xd: {  	s7 =	sadd.s32 s7, s6;
	s11 =	sadd.s32 s11, s6;
	s9 =	sshrl.u32 s9, $0x3  }
0xe: {  	s13 =	sadd.s32 s10, s3;
	s10 =	simm.s32 $0x3;
	s8 =	sadd.s32 s8, s6  }
0xf: {  	s9 =	sadd.s32 s9, s6;
	s5 =	sadd.s32 $0xAE00, s7;
	s7 =	sadd.s32 $0x1AE00, s11  }
0x10: {  	s11 =	simm.s32 $0x4000;
	s13 =	sshrl.u32 s13, $0x3;
	s6 =	sadd.s32 $0x1000, s8  }
0x11: {  	s8 =	sadd.s32 $0x92E00, s9;
	s9 =	smax.u32 s12, $0x1;
	s12 =	sor.u32 $0x1C03, s31  }
.LBB2_1:
0x12: {  	[tilespmem:s4], [sflag:$0x3] =	stream.linear.gather [hbm4b:s5+s4], $0x3E80, $0x38;
	[tilespmem:$0x1F780] =	vst v63  }
0x13: {  	_ =	swait.ge [sflag:s10], $0x3E80  }
0x14: {  	[sflag:s10] =	ssyncset.done $0x0  }
0x15: {  	[sflag:s10] =	ssyncadd.s32 $0xFFFFC180  }
0x16: {  	[tilespmem:s11], [sflag:$0x3] =	stream.linear.gather [hbm4b:s6+s4], $0x2710, $0x38;
	[tilespmem:$0x1F780] =	vst v63  }
0x17: {  	_ =	swait.ge [sflag:s10], $0x2710  }
0x18: {  	[sflag:s10] =	ssyncset.done $0x0  }
0x19: {  	[sflag:s10] =	ssyncadd.s32 $0xFFFFD8F0  }
0x1a: {  	[spmem:s13], [sflag:s12] =	dma.local [hbm:s7], $0x2800  }
0x1b: {  	_ =	swait.ge [sflag:s10], $0x2800  }
0x1c: {  	[sflag:s10] =	ssyncset.done $0x0  }
0x1d: {  	[sflag:s10] =	ssyncadd.s32 $0xFFFFD800  }
0x1e: {  	[bflag:$0x0] =	sbarrier.arrive $0xFFFF  }
0x1f: {  	[tilespmem:s15], [sflag:$0x1] =	stream.indirect.gather [hbm4b:s1+s14], $0x80, s11, s14, $0xb8;
	[tilespmem:$0x1F780] =	vst v63  }
0x20: {  	s21 =	simm.s32 $0x4050  }
0x21: {  	[tilespmem:s16], [sflag:$0x2] =	stream.indirect.gather [hbm4b:s1+s14], $0x80, s21, s14, $0xb8;
	[tilespmem:$0x1F780] =	vst v63  }
0x22: {  	_ =	swait.ge [sflag:s17], $0x2800  }
0x23: {  	[sflag:s17] =	ssyncset.done $0x0  }
0x24: {  	s29 =	simm.s32 $0x0;
	[sflag:s17] =	ssyncadd.s32 $0xFFFFD800  }
0x25: {  	[spmem:s3] =	stream.indirect.scatter.add.f32 [tilespmem:s15], [sflag:$0x3], $0x80, s29, s14, $0xb8;
	[tilespmem:$0x1F780] =	vst v63  }
0x26: {  	_ =	swait.ge [sflag:s10], $0x2800  }
0x27: {  	[sflag:s10] =	ssyncset.done $0x0  }
0x28: {  	s30 =	simm.s32 $0x40A0;
	[sflag:s10] =	ssyncadd.s32 $0xFFFFD800  }
0x29: {  	[tilespmem:s15], [sflag:$0x1] =	stream.indirect.gather [hbm4b:s1+s14], $0x80, s30, s14, $0xb8;
	[tilespmem:$0x1F780] =	vst v63  }
0x2a: {  	_ =	swait.ge [sflag:s18], $0x2800  }
0x2b: {  	[sflag:s18] =	ssyncset.done $0x0  }
0x2c: {  	s31 =	simm.s32 $0x80;
	[sflag:s18] =	ssyncadd.s32 $0xFFFFD800  }
0x2d: {  	[spmem:s3] =	stream.indirect.scatter.add.f32 [tilespmem:s16], [sflag:$0x3], $0x80, s31, s14, $0xb8;
	[tilespmem:$0x1F780] =	vst v63  }
0x2e: {  	s22 =	simm.s32 $0x400;
	_ =	swait.ge [sflag:s10], $0x2800  }
0x2f: {  	s23 =	simm.s32 $0x800;
	s21 =	simm.s32 $0x4140;
	[sflag:s10] =	ssyncset.done $0x0  }
.LBB2_2:
0x30: {  	p0 =	sne.s32 s23, $0xF400;
	s24 =	sadd.s32 $0xFFFFFFB0, s21;
	[sflag:s10] =	ssyncadd.s32 $0xFFFFD800  }
0x31: {  	[tilespmem:s16], [sflag:$0x2] =	stream.indirect.gather [hbm4b:s1+s14], $0x80, s24, s14, $0xb8;
	[tilespmem:$0x1F780] =	vst v63  }
0x32: {  	s24 =	smov.u32 s23;
	s23 =	sadd.s32 $0x400, s23;
	_ =	swait.ge [sflag:s17], $0x2800  }
0x33: {  	[sflag:s17] =	ssyncset.done $0x0  }
0x34: {  	s25 =	sshra.s32 s22, $0x2;
	s22 =	smov.u32 s24;
	[sflag:s17] =	ssyncadd.s32 $0xFFFFD800  }
0x35: {  	[spmem:s3] =	stream.indirect.scatter.add.f32 [tilespmem:s15], [sflag:$0x3], $0x80, s25, s14, $0xb8;
	[tilespmem:$0x1F780] =	vst v63  }
0x36: {  	_ =	swait.ge [sflag:s10], $0x2800  }
0x37: {  	[sflag:s10] =	ssyncset.done $0x0  }
0x38: {  	[sflag:s10] =	ssyncadd.s32 $0xFFFFD800  }
0x39: {  	[tilespmem:s15], [sflag:$0x1] =	stream.indirect.gather [hbm4b:s1+s14], $0x80, s21, s14, $0xb8;
	[tilespmem:$0x1F780] =	vst v63  }
0x3a: {  	_ =	swait.ge [sflag:s18], $0x2800  }
.Ltmp0:
0x3b: {  	[sflag:s18] =	ssyncset.done $0x0;
	(pc) =	sbr.rel @p0 .LBB2_2-.Ltmp0, $4  }
0x3c: {  	s24 =	sadd.s32 $0x80, s25;
	[sflag:s18] =	ssyncadd.s32 $0xFFFFD800  }
0x3d: {  	[spmem:s3] =	stream.indirect.scatter.add.f32 [tilespmem:s16], [sflag:$0x3], $0x80, s24, s14, $0xb8;
	[tilespmem:$0x1F780] =	vst v63  }
0x3e: {  	_ =	swait.ge [sflag:s10], $0x2800  }
0x3f: {  	s21 =	sadd.s32 $0xA0, s21;
	[sflag:s10] =	ssyncset.done $0x0  }
0x40: {  	s23 =	sadd.s32 $0xFFFFFFB0, s21;
	[sflag:s10] =	ssyncadd.s32 $0xFFFFD800  }
0x41: {  	[tilespmem:s16], [sflag:$0x2] =	stream.indirect.gather [hbm4b:s1+s14], $0x80, s23, s14, $0xb8;
	[tilespmem:$0x1F780] =	vst v63  }
0x42: {  	_ =	swait.ge [sflag:s17], $0x2800  }
0x43: {  	[sflag:s17] =	ssyncset.done $0x0  }
0x44: {  	s22 =	sshra.s32 s22, $0x2;
	[sflag:s17] =	ssyncadd.s32 $0xFFFFD800  }
0x45: {  	[spmem:s3] =	stream.indirect.scatter.add.f32 [tilespmem:s15], [sflag:$0x3], $0x80, s22, s14, $0xb8;
	[tilespmem:$0x1F780] =	vst v63  }
0x46: {  	_ =	swait.ge [sflag:s10], $0x2800  }
0x47: {  	[sflag:s10] =	ssyncset.done $0x0  }
0x48: {  	[sflag:s10] =	ssyncadd.s32 $0xFFFFD800  }
0x49: {  	[tilespmem:s15], [sflag:$0x1] =	stream.indirect.gather [hbm4b:s1+s14], $0x80, s21, s14, $0xb8;
	[tilespmem:$0x1F780] =	vst v63  }
0x4a: {  	_ =	swait.ge [sflag:s18], $0x2800  }
0x4b: {  	[sflag:s18] =	ssyncset.done $0x0  }
0x4c: {  	s31 =	sadd.s32 $0x80, s22;
	[sflag:s18] =	ssyncadd.s32 $0xFFFFD800  }
0x4d: {  	[spmem:s3] =	stream.indirect.scatter.add.f32 [tilespmem:s16], [sflag:$0x3], $0x80, s31, s14, $0xb8;
	[tilespmem:$0x1F780] =	vst v63  }
0x4e: {  	_ =	swait.ge [sflag:s10], $0x2800  }
0x4f: {  	[sflag:s10] =	ssyncset.done $0x0  }
0x50: {  	[sflag:s10] =	ssyncadd.s32 $0xFFFFD800  }
0x51: {  	_ =	swait.ge [sflag:s17], $0x2800  }
0x52: {  	[sflag:s17] =	ssyncset.done $0x0  }
0x53: {  	[sflag:s17] =	ssyncadd.s32 $0xFFFFD800  }
0x54: {  	[spmem:s3] =	stream.indirect.scatter.add.f32 [tilespmem:s15], [sflag:$0x3], $0x80, s19, s14, $0xb8;
	[tilespmem:$0x1F780] =	vst v63  }
0x55: {  	_ =	swait.ge [sflag:s10], $0x2800  }
0x56: {  	s20 =	sadd.s32 $0x1, s20;
	[sflag:s10] =	ssyncset.done $0x0  }
0x57: {  	p0 =	sne.s32 s20, s9;
	[sflag:s10] =	ssyncadd.s32 $0xFFFFD800  }
.Ltmp1:
0x58: {  	[bflag:$0x0] =	sbarrier.arrive $0xFFFF;
	(pc) =	sbr.rel @p0 .LBB2_1-.Ltmp1, $4  }
0x59: {  	[hbm:s8], [sflag:s12] =	dma.local [spmem:s13], $0x2800  }
0x5a: {  	_ =	swait.ge [sflag:s10], $0x2800  }
0x5b: {  	[sflag:s10] =	ssyncset.done $0x0  }
0x5c: {  	[sflag:s10] =	ssyncadd.s32 $0xFFFFD800  }
0x5d: {  	_ =	sfence.sel $0x180000  }
0x5e: {  	[bflag:$0x0] =	sbarrier.arrive $0xFFFF  }
0x5f: {  	p0 =	sne.s32 s0, $0x0;
	_ =	strace $0x9000004A  }
0x60: {  	s0 =	sadd.s32 @!p0 $0x100000, s2;
	[bflag:$0x2] =	sbarrier.arrive $0xFFFF  }
0x61: {  	[sflag:s0] =	ssyncadd.tile.s32 @!p0 $0x1;
	_ =	shalt  }
.Lfunc_end2:
_tile_overlayer_lowered:
.L_overlay_start_2:
0x62: {  	(tag) =	ssettag $0x2  }
0x63: {  	s0 =	rddreg [dreg:$0x0];
	s2 =	stileid.u32  }
0x64: {  	s1 =	rddreg [dreg:$0x1];
	p0 =	sne.s32 s2, $0x0  }
0x65: {  	s3 =	rddreg [dreg:$0x2];
	[bflag:$0x3] =	sbarrier.arrive $0xFFFF;
	s2 =	simm.s32 @!p0 $0x1C03  }
0x66: {  	[timem:s3], [sflag:s2] =	dma.local @!p0 [hbm:s0], s1  }
0x67: {  	s0 =	simm.s32 @!p0 $0x3  }
0x68: {  	_ =	swait.ge @!p0 [sflag:s0], s1  }
0x69: {  	s1 =	ssub.s32 @!p0 $0x0, s1;
	[sflag:s0] =	ssyncset.done @!p0 $0x0  }
0x6a: {  	[sflag:s0] =	ssyncadd.s32 @!p0 s1  }
0x6b: {  	[bflag:$0x3] =	sbarrier.arrive $0xFFFF  }
0x6c: {  	_ =	shalt  }

</sc_bundles>
